<compile_context>
chip_gen: v7x
topology: tpu7x:2x2x1
jax: 0.10.2.dev20260603
libtpu: 0.0.44.dev20260713+nightly
codegen_flags: <defaults>
</compile_context>

<pallas_src>
import jax
import jax.numpy as jnp
from jax import lax
from jax.experimental import pallas as pl
from jax.experimental.pallas import tpu as pltpu
from jax.experimental.pallas import tpu_sc as plsc

_T = 32768
_V = 32
_NW = 32
_CHUNK = _T // _NW
_L = 16
_B = 128
_WA = 512
_WB = 640


def _argmax_pass(buf, ids, ngroups, base, carry_unused):
    lanes = lax.iota(jnp.int32, _L)

    def body(g, carry):
        col = g * _L
        best_v = buf[0, pl.ds(col, _L)]
        best_i = jnp.zeros((_L,), jnp.int32)
        for v in range(1, _V):
            x = buf[v, pl.ds(col, _L)]
            gt = x > best_v
            best_i = jnp.where(gt, jnp.full((_L,), v, jnp.int32), best_i)
            best_v = jnp.maximum(best_v, x)
        plsc.store_scatter(ids, [base + col + lanes], best_i)
        return carry
    return lax.fori_loop(0, ngroups, body, carry_unused)


def _decode_body(em_hbm, out_hbm, bufa, bufb, ids, outv, sema, semb):
    c = lax.axis_index("c")
    s = lax.axis_index("s")
    wid = s * 2 + c
    start = wid * _CHUNK
    cs = pl.multiple_of(jnp.maximum(start - _B, 0), _B)
    lanes = lax.iota(jnp.int32, _L)

    cpa = pltpu.async_copy(em_hbm.at[:, pl.ds(cs, _WA)], bufa, sema)
    cpb = pltpu.async_copy(
        em_hbm.at[:, pl.ds(pl.multiple_of(cs + _WA, _B), _WB)], bufb, semb)

    plsc.store_scatter(ids, [jnp.zeros((_L,), jnp.int32)],
                       jnp.full((_L,), -1, jnp.int32), mask=lanes == 0)

    cpa.wait()
    _argmax_pass(bufa, ids, _WA // _L, 1, jnp.int32(0))
    cpb.wait()
    _argmax_pass(bufb, ids, _WB // _L, 1 + _WA, jnp.int32(0))

    o = jnp.where(wid > 0, _B + 1, 1).astype(jnp.int32)

    def pass2(g, carry):
        cur = plsc.load_gather(ids, [o + g * _L + lanes])
        prev = plsc.load_gather(ids, [o - 1 + g * _L + lanes])
        keep = (cur != prev) & (cur != 0)
        outv[pl.ds(g * _L, _L)] = jnp.where(keep, cur,
                                            jnp.full((_L,), -1, jnp.int32))
        return carry
    lax.fori_loop(0, _CHUNK // _L, pass2, jnp.int32(0))

    pltpu.sync_copy(outv, out_hbm.at[pl.ds(start, _CHUNK)])


@jax.jit
def kernel(emission):
    mesh = plsc.VectorSubcoreMesh(core_axis_name="c", subcore_axis_name="s")
    f = pl.kernel(
        _decode_body,
        out_type=jax.ShapeDtypeStruct((_T,), jnp.int32),
        mesh=mesh,
        scratch_types=[
            pltpu.VMEM((_V, _WA), jnp.float32),
            pltpu.VMEM((_V, _WB), jnp.float32),
            pltpu.VMEM((1 + _B + _CHUNK + _L,), jnp.int32),
            pltpu.VMEM((_CHUNK,), jnp.int32),
            pltpu.SemaphoreType.DMA,
            pltpu.SemaphoreType.DMA,
        ],
        compiler_params=pltpu.CompilerParams(
            needs_layout_passes=False,
            skip_device_barrier=True,
            disable_bounds_checks=True,
            disable_semaphore_checks=True,
        ),
    )
    return f(emission.T)

# --- scband reference (transcript-rebuilt; emitter-appended) ---
"""Pipeline reference for scband-ctcdecoder-31275951850063 (READ-ONLY COPY).

The authoritative reference and input builder live on the scoring server;
editing this copy changes nothing except your own understanding.
"""

import jax, jax.numpy as jnp
import numpy as np

T = 32768
V = 32
BLANK = 0

def setup_inputs(seed: int = 0) -> dict:
    key = jax.random.key(seed)
    emission = jax.random.normal(key, (T, V), dtype=jnp.float32)
    return {"emission": emission}

def reference(emission):
    # Greedy CTC decode, faithful to the torch forward:
    #   idx = argmax(emission[0], dim=-1)
    #   idx = unique_consecutive(idx)
    #   drop blanks
    # The torch code finally maps ids -> label chars and joins into a string;
    # here we return the decoded id sequence with collapsed/blank positions
    # marked as -1 (fixed-shape equivalent of the filtered list).
    ids = jnp.argmax(emission, axis=-1)
    prev = jnp.concatenate([jnp.full((1,), -1, dtype=ids.dtype), ids[:-1]])
    keep = (ids != prev) & (ids != BLANK)  # unique_consecutive + blank removal
    decoded = jnp.where(keep, ids, -1)
    return decoded

if __name__ == "__main__":
    import jax
    _d = setup_inputs()
    print(jax.jit(kernel)(*tuple(_d.values())))

</pallas_src>

<mosaic_0001>
#map = affine_map<(d0, d1) -> (0, 0)>
#map1 = affine_map<(d0, d1) -> (0)>
module attributes {stable_mosaic.version = 14 : i64} {
  func.func @_decode_body(%arg0: i32, %arg1: i32, %arg2: memref<32x32768xf32, #tpu.memory_space<hbm>>, %arg3: memref<32768xi32, #tpu.memory_space<hbm>>, %arg4: memref<32x512xf32, #tpu.memory_space<vmem>>, %arg5: memref<32x640xf32, #tpu.memory_space<vmem>>, %arg6: memref<1169xi32, #tpu.memory_space<vmem>>, %arg7: memref<1024xi32, #tpu.memory_space<vmem>>, %arg8: memref<!tpu.dma_semaphore, #tpu.memory_space<semaphore_mem>>, %arg9: memref<!tpu.dma_semaphore, #tpu.memory_space<semaphore_mem>>) attributes {dimension_semantics = [#tpu.dimension_semantics<core_parallel>, #tpu.dimension_semantics<subcore_parallel>], iteration_bounds = array<i64: 2, 16>, scalar_prefetch = 0 : i64, scratch_operands = 6 : i64, tpu.core_type = #tpu.core_type<sc_vector_subcore>, window_params = [{transform_indices = #map}, {transform_indices = #map1}]} {
    %mul3A = arith.constant 2 : i32
    %mul3A_0 = arith.muli %arg1, %mul3A : i32
    %add3A = arith.addi %mul3A_0, %arg0 : i32
    %mul3A_1 = arith.constant 1024 : i32
    %mul3A_2 = arith.muli %add3A, %mul3A_1 : i32
    %sub3A = arith.constant 128 : i32
    %sub3A_3 = arith.subi %mul3A_2, %sub3A : i32
    %max3A = arith.constant 0 : i32
    %max3A_4 = arith.maxsi %sub3A_3, %max3A : i32
    %multiple_of3A = tpu.assume_multiple %max3A_4, 128 : i32
    %iota3A = tpu.iota {dimensions = array<i32: 0>} : vector<16xi32>
    %dma_start3A = arith.constant 0 : i32
    %dma_start3A_5 = tpu.memref_slice %arg2[%dma_start3A, %multiple_of3A] : memref<32x32768xf32, #tpu.memory_space<hbm>> -> memref<32x512xf32, #tpu.memory_space<hbm>>
    %dma_start3A_6 = arith.constant 0 : i32
    %dma_start3A_7 = tpu.memref_slice %arg2[%dma_start3A_6, %multiple_of3A] : memref<32x32768xf32, #tpu.memory_space<hbm>> -> memref<32x512xf32, #tpu.memory_space<hbm>>
    tpu.enqueue_dma source(%dma_start3A_7 : memref<32x512xf32, #tpu.memory_space<hbm>>) target(%arg4 : memref<32x512xf32, #tpu.memory_space<vmem>>) target_semaphore(%arg8 : memref<!tpu.dma_semaphore, #tpu.memory_space<semaphore_mem>>)
    %add3A_8 = arith.constant 512 : i32
    %add3A_9 = arith.addi %multiple_of3A, %add3A_8 : i32
    %multiple_of3A_10 = tpu.assume_multiple %add3A_9, 128 : i32
    %dma_start3A_11 = arith.constant 0 : i32
    %dma_start3A_12 = tpu.memref_slice %arg2[%dma_start3A_11, %multiple_of3A_10] : memref<32x32768xf32, #tpu.memory_space<hbm>> -> memref<32x640xf32, #tpu.memory_space<hbm>>
    %dma_start3A_13 = arith.constant 0 : i32
    %dma_start3A_14 = tpu.memref_slice %arg2[%dma_start3A_13, %multiple_of3A_10] : memref<32x32768xf32, #tpu.memory_space<hbm>> -> memref<32x640xf32, #tpu.memory_space<hbm>>
    tpu.enqueue_dma source(%dma_start3A_14 : memref<32x640xf32, #tpu.memory_space<hbm>>) target(%arg5 : memref<32x640xf32, #tpu.memory_space<vmem>>) target_semaphore(%arg9 : memref<!tpu.dma_semaphore, #tpu.memory_space<semaphore_mem>>)
    %broadcast_in_dim3A = arith.constant 0 : i32
    %broadcast_in_dim3A_15 = vector.broadcast %broadcast_in_dim3A : i32 to vector<16xi32>
    %broadcast_in_dim3A_16 = arith.constant -1 : i32
    %broadcast_in_dim3A_17 = vector.broadcast %broadcast_in_dim3A_16 : i32 to vector<16xi32>
    %eq3A = arith.constant 0 : i32
    %eq3A_18 = vector.broadcast %eq3A : i32 to vector<16xi32>
    %eq3A_19 = arith.cmpi eq, %iota3A, %eq3A_18 : vector<16xi32>
    tpu.vector_store_idx %arg6[%broadcast_in_dim3A_15], %broadcast_in_dim3A_17 masked %eq3A_19 : memref<1169xi32, #tpu.memory_space<vmem>>[vector<16xi32>], vector<16xi32>, vector<16xi1>
    %dma_wait3A = arith.constant 0 : i32
    %dma_wait3A_20 = tpu.memref_slice %arg2[%dma_wait3A, %multiple_of3A] : memref<32x32768xf32, #tpu.memory_space<hbm>> -> memref<32x512xf32, #tpu.memory_space<hbm>>
    %dma_wait3A_21 = arith.constant 0 : i32
    %dma_wait3A_22 = tpu.memref_slice %arg2[%dma_wait3A_21, %multiple_of3A] : memref<32x32768xf32, #tpu.memory_space<hbm>> -> memref<32x512xf32, #tpu.memory_space<hbm>>
    tpu.wait_dma2 semaphore(%arg8 : memref<!tpu.dma_semaphore, #tpu.memory_space<semaphore_mem>>) src(%dma_wait3A_22 : memref<32x512xf32, #tpu.memory_space<hbm>>) dst(%arg4 : memref<32x512xf32, #tpu.memory_space<vmem>>)
    %iota3A_23 = tpu.iota {dimensions = array<i32: 0>} : vector<16xi32>
    %scan3A = arith.constant 0 : i32
    %scan3A_24 = arith.constant 0 : i32
    %scan3A_25 = arith.constant 32 : i32
    %scan3A_26 = arith.addi %scan3A_24, %scan3A_25 : i32
    %scan3A_27 = arith.constant 1 : i32
    scf.for %scan3A_48 = %scan3A_24 to %scan3A_26 step %scan3A_27  : i32 {
      %mul3A_49 = arith.constant 16 : i32
      %mul3A_50 = arith.muli %scan3A_48, %mul3A_49 : i32
      %get3A = arith.constant 0 : i32
      %get3A_51 = arith.index_cast %get3A : i32 to index
      %get3A_52 = arith.index_cast %mul3A_50 : i32 to index
      %get3A_53 = tpu.vector_load %arg4[%get3A_51, %get3A_52] {strides = array<i32>} : memref<32x512xf32, #tpu.memory_space<vmem>>, vector<16xf32>,
      %broadcast_in_dim3A_54 = arith.constant 0 : i32
      %broadcast_in_dim3A_55 = vector.broadcast %broadcast_in_dim3A_54 : i32 to vector<16xi32>
      %get3A_56 = arith.constant 1 : i32
      %get3A_57 = arith.index_cast %get3A_56 : i32 to index
      %get3A_58 = arith.index_cast %mul3A_50 : i32 to index
      %get3A_59 = tpu.vector_load %arg4[%get3A_57, %get3A_58] {strides = array<i32>} : memref<32x512xf32, #tpu.memory_space<vmem>>, vector<16xf32>,
      %gt3A_60 = arith.cmpf ogt, %get3A_59, %get3A_53 : vector<16xf32>
      %broadcast_in_dim3A_61 = arith.constant 1 : i32
      %broadcast_in_dim3A_62 = vector.broadcast %broadcast_in_dim3A_61 : i32 to vector<16xi32>
      %select_n3A_63 = arith.select %gt3A_60, %broadcast_in_dim3A_62, %broadcast_in_dim3A_55 : vector<16xi1>, vector<16xi32>
      %max3A_64 = arith.maximumf %get3A_53, %get3A_59 : vector<16xf32>
      %get3A_65 = arith.constant 2 : i32
      %get3A_66 = arith.index_cast %get3A_65 : i32 to index
      %get3A_67 = arith.index_cast %mul3A_50 : i32 to index
      %get3A_68 = tpu.vector_load %arg4[%get3A_66, %get3A_67] {strides = array<i32>} : memref<32x512xf32, #tpu.memory_space<vmem>>, vector<16xf32>,
      %gt3A_69 = arith.cmpf ogt, %get3A_68, %max3A_64 : vector<16xf32>
      %broadcast_in_dim3A_70 = arith.constant 2 : i32
      %broadcast_in_dim3A_71 = vector.broadcast %broadcast_in_dim3A_70 : i32 to vector<16xi32>
      %select_n3A_72 = arith.select %gt3A_69, %broadcast_in_dim3A_71, %select_n3A_63 : vector<16xi1>, vector<16xi32>
      %max3A_73 = arith.maximumf %max3A_64, %get3A_68 : vector<16xf32>
      %get3A_74 = arith.constant 3 : i32
      %get3A_75 = arith.index_cast %get3A_74 : i32 to index
      %get3A_76 = arith.index_cast %mul3A_50 : i32 to index
      %get3A_77 = tpu.vector_load %arg4[%get3A_75, %get3A_76] {strides = array<i32>} : memref<32x512xf32, #tpu.memory_space<vmem>>, vector<16xf32>,
      %gt3A_78 = arith.cmpf ogt, %get3A_77, %max3A_73 : vector<16xf32>
      %broadcast_in_dim3A_79 = arith.constant 3 : i32
      %broadcast_in_dim3A_80 = vector.broadcast %broadcast_in_dim3A_79 : i32 to vector<16xi32>
      %select_n3A_81 = arith.select %gt3A_78, %broadcast_in_dim3A_80, %select_n3A_72 : vector<16xi1>, vector<16xi32>
      %max3A_82 = arith.maximumf %max3A_73, %get3A_77 : vector<16xf32>
      %get3A_83 = arith.constant 4 : i32
      %get3A_84 = arith.index_cast %get3A_83 : i32 to index
      %get3A_85 = arith.index_cast %mul3A_50 : i32 to index
      %get3A_86 = tpu.vector_load %arg4[%get3A_84, %get3A_85] {strides = array<i32>} : memref<32x512xf32, #tpu.memory_space<vmem>>, vector<16xf32>,
      %gt3A_87 = arith.cmpf ogt, %get3A_86, %max3A_82 : vector<16xf32>
      %broadcast_in_dim3A_88 = arith.constant 4 : i32
      %broadcast_in_dim3A_89 = vector.broadcast %broadcast_in_dim3A_88 : i32 to vector<16xi32>
      %select_n3A_90 = arith.select %gt3A_87, %broadcast_in_dim3A_89, %select_n3A_81 : vector<16xi1>, vector<16xi32>
      %max3A_91 = arith.maximumf %max3A_82, %get3A_86 : vector<16xf32>
      %get3A_92 = arith.constant 5 : i32
      %get3A_93 = arith.index_cast %get3A_92 : i32 to index
      %get3A_94 = arith.index_cast %mul3A_50 : i32 to index
      %get3A_95 = tpu.vector_load %arg4[%get3A_93, %get3A_94] {strides = array<i32>} : memref<32x512xf32, #tpu.memory_space<vmem>>, vector<16xf32>,
      %gt3A_96 = arith.cmpf ogt, %get3A_95, %max3A_91 : vector<16xf32>
      %broadcast_in_dim3A_97 = arith.constant 5 : i32
      %broadcast_in_dim3A_98 = vector.broadcast %broadcast_in_dim3A_97 : i32 to vector<16xi32>
      %select_n3A_99 = arith.select %gt3A_96, %broadcast_in_dim3A_98, %select_n3A_90 : vector<16xi1>, vector<16xi32>
      %max3A_100 = arith.maximumf %max3A_91, %get3A_95 : vector<16xf32>
      %get3A_101 = arith.constant 6 : i32
      %get3A_102 = arith.index_cast %get3A_101 : i32 to index
      %get3A_103 = arith.index_cast %mul3A_50 : i32 to index
      %get3A_104 = tpu.vector_load %arg4[%get3A_102, %get3A_103] {strides = array<i32>} : memref<32x512xf32, #tpu.memory_space<vmem>>, vector<16xf32>,
      %gt3A_105 = arith.cmpf ogt, %get3A_104, %max3A_100 : vector<16xf32>
      %broadcast_in_dim3A_106 = arith.constant 6 : i32
      %broadcast_in_dim3A_107 = vector.broadcast %broadcast_in_dim3A_106 : i32 to vector<16xi32>
      %select_n3A_108 = arith.select %gt3A_105, %broadcast_in_dim3A_107, %select_n3A_99 : vector<16xi1>, vector<16xi32>
      %max3A_109 = arith.maximumf %max3A_100, %get3A_104 : vector<16xf32>
      %get3A_110 = arith.constant 7 : i32
      %get3A_111 = arith.index_cast %get3A_110 : i32 to index
      %get3A_112 = arith.index_cast %mul3A_50 : i32 to index
      %get3A_113 = tpu.vector_load %arg4[%get3A_111, %get3A_112] {strides = array<i32>} : memref<32x512xf32, #tpu.memory_space<vmem>>, vector<16xf32>,
      %gt3A_114 = arith.cmpf ogt, %get3A_113, %max3A_109 : vector<16xf32>
      %broadcast_in_dim3A_115 = arith.constant 7 : i32
      %broadcast_in_dim3A_116 = vector.broadcast %broadcast_in_dim3A_115 : i32 to vector<16xi32>
      %select_n3A_117 = arith.select %gt3A_114, %broadcast_in_dim3A_116, %select_n3A_108 : vector<16xi1>, vector<16xi32>
      %max3A_118 = arith.maximumf %max3A_109, %get3A_113 : vector<16xf32>
      %get3A_119 = arith.constant 8 : i32
      %get3A_120 = arith.index_cast %get3A_119 : i32 to index
      %get3A_121 = arith.index_cast %mul3A_50 : i32 to index
      %get3A_122 = tpu.vector_load %arg4[%get3A_120, %get3A_121] {strides = array<i32>} : memref<32x512xf32, #tpu.memory_space<vmem>>, vector<16xf32>,
      %gt3A_123 = arith.cmpf ogt, %get3A_122, %max3A_118 : vector<16xf32>
      %broadcast_in_dim3A_124 = arith.constant 8 : i32
      %broadcast_in_dim3A_125 = vector.broadcast %broadcast_in_dim3A_124 : i32 to vector<16xi32>
      %select_n3A_126 = arith.select %gt3A_123, %broadcast_in_dim3A_125, %select_n3A_117 : vector<16xi1>, vector<16xi32>
      %max3A_127 = arith.maximumf %max3A_118, %get3A_122 : vector<16xf32>
      %get3A_128 = arith.constant 9 : i32
      %get3A_129 = arith.index_cast %get3A_128 : i32 to index
      %get3A_130 = arith.index_cast %mul3A_50 : i32 to index
      %get3A_131 = tpu.vector_load %arg4[%get3A_129, %get3A_130] {strides = array<i32>} : memref<32x512xf32, #tpu.memory_space<vmem>>, vector<16xf32>,
      %gt3A_132 = arith.cmpf ogt, %get3A_131, %max3A_127 : vector<16xf32>
      %broadcast_in_dim3A_133 = arith.constant 9 : i32
      %broadcast_in_dim3A_134 = vector.broadcast %broadcast_in_dim3A_133 : i32 to vector<16xi32>
      %select_n3A_135 = arith.select %gt3A_132, %broadcast_in_dim3A_134, %select_n3A_126 : vector<16xi1>, vector<16xi32>
      %max3A_136 = arith.maximumf %max3A_127, %get3A_131 : vector<16xf32>
      %get3A_137 = arith.constant 10 : i32
      %get3A_138 = arith.index_cast %get3A_137 : i32 to index
      %get3A_139 = arith.index_cast %mul3A_50 : i32 to index
      %get3A_140 = tpu.vector_load %arg4[%get3A_138, %get3A_139] {strides = array<i32>} : memref<32x512xf32, #tpu.memory_space<vmem>>, vector<16xf32>,
      %gt3A_141 = arith.cmpf ogt, %get3A_140, %max3A_136 : vector<16xf32>
      %broadcast_in_dim3A_142 = arith.constant 10 : i32
      %broadcast_in_dim3A_143 = vector.broadcast %broadcast_in_dim3A_142 : i32 to vector<16xi32>
      %select_n3A_144 = arith.select %gt3A_141, %broadcast_in_dim3A_143, %select_n3A_135 : vector<16xi1>, vector<16xi32>
      %max3A_145 = arith.maximumf %max3A_136, %get3A_140 : vector<16xf32>
      %get3A_146 = arith.constant 11 : i32
      %get3A_147 = arith.index_cast %get3A_146 : i32 to index
      %get3A_148 = arith.index_cast %mul3A_50 : i32 to index
      %get3A_149 = tpu.vector_load %arg4[%get3A_147, %get3A_148] {strides = array<i32>} : memref<32x512xf32, #tpu.memory_space<vmem>>, vector<16xf32>,
      %gt3A_150 = arith.cmpf ogt, %get3A_149, %max3A_145 : vector<16xf32>
      %broadcast_in_dim3A_151 = arith.constant 11 : i32
      %broadcast_in_dim3A_152 = vector.broadcast %broadcast_in_dim3A_151 : i32 to vector<16xi32>
      %select_n3A_153 = arith.select %gt3A_150, %broadcast_in_dim3A_152, %select_n3A_144 : vector<16xi1>, vector<16xi32>
      %max3A_154 = arith.maximumf %max3A_145, %get3A_149 : vector<16xf32>
      %get3A_155 = arith.constant 12 : i32
      %get3A_156 = arith.index_cast %get3A_155 : i32 to index
      %get3A_157 = arith.index_cast %mul3A_50 : i32 to index
      %get3A_158 = tpu.vector_load %arg4[%get3A_156, %get3A_157] {strides = array<i32>} : memref<32x512xf32, #tpu.memory_space<vmem>>, vector<16xf32>,
      %gt3A_159 = arith.cmpf ogt, %get3A_158, %max3A_154 : vector<16xf32>
      %broadcast_in_dim3A_160 = arith.constant 12 : i32
      %broadcast_in_dim3A_161 = vector.broadcast %broadcast_in_dim3A_160 : i32 to vector<16xi32>
      %select_n3A_162 = arith.select %gt3A_159, %broadcast_in_dim3A_161, %select_n3A_153 : vector<16xi1>, vector<16xi32>
      %max3A_163 = arith.maximumf %max3A_154, %get3A_158 : vector<16xf32>
      %get3A_164 = arith.constant 13 : i32
      %get3A_165 = arith.index_cast %get3A_164 : i32 to index
      %get3A_166 = arith.index_cast %mul3A_50 : i32 to index
      %get3A_167 = tpu.vector_load %arg4[%get3A_165, %get3A_166] {strides = array<i32>} : memref<32x512xf32, #tpu.memory_space<vmem>>, vector<16xf32>,
      %gt3A_168 = arith.cmpf ogt, %get3A_167, %max3A_163 : vector<16xf32>
      %broadcast_in_dim3A_169 = arith.constant 13 : i32
      %broadcast_in_dim3A_170 = vector.broadcast %broadcast_in_dim3A_169 : i32 to vector<16xi32>
      %select_n3A_171 = arith.select %gt3A_168, %broadcast_in_dim3A_170, %select_n3A_162 : vector<16xi1>, vector<16xi32>
      %max3A_172 = arith.maximumf %max3A_163, %get3A_167 : vector<16xf32>
      %get3A_173 = arith.constant 14 : i32
      %get3A_174 = arith.index_cast %get3A_173 : i32 to index
      %get3A_175 = arith.index_cast %mul3A_50 : i32 to index
      %get3A_176 = tpu.vector_load %arg4[%get3A_174, %get3A_175] {strides = array<i32>} : memref<32x512xf32, #tpu.memory_space<vmem>>, vector<16xf32>,
      %gt3A_177 = arith.cmpf ogt, %get3A_176, %max3A_172 : vector<16xf32>
      %broadcast_in_dim3A_178 = arith.constant 14 : i32
      %broadcast_in_dim3A_179 = vector.broadcast %broadcast_in_dim3A_178 : i32 to vector<16xi32>
      %select_n3A_180 = arith.select %gt3A_177, %broadcast_in_dim3A_179, %select_n3A_171 : vector<16xi1>, vector<16xi32>
      %max3A_181 = arith.maximumf %max3A_172, %get3A_176 : vector<16xf32>
      %get3A_182 = arith.constant 15 : i32
      %get3A_183 = arith.index_cast %get3A_182 : i32 to index
      %get3A_184 = arith.index_cast %mul3A_50 : i32 to index
      %get3A_185 = tpu.vector_load %arg4[%get3A_183, %get3A_184] {strides = array<i32>} : memref<32x512xf32, #tpu.memory_space<vmem>>, vector<16xf32>,
      %gt3A_186 = arith.cmpf ogt, %get3A_185, %max3A_181 : vector<16xf32>
      %broadcast_in_dim3A_187 = arith.constant 15 : i32
      %broadcast_in_dim3A_188 = vector.broadcast %broadcast_in_dim3A_187 : i32 to vector<16xi32>
      %select_n3A_189 = arith.select %gt3A_186, %broadcast_in_dim3A_188, %select_n3A_180 : vector<16xi1>, vector<16xi32>
      %max3A_190 = arith.maximumf %max3A_181, %get3A_185 : vector<16xf32>
      %get3A_191 = arith.constant 16 : i32
      %get3A_192 = arith.index_cast %get3A_191 : i32 to index
      %get3A_193 = arith.index_cast %mul3A_50 : i32 to index
      %get3A_194 = tpu.vector_load %arg4[%get3A_192, %get3A_193] {strides = array<i32>} : memref<32x512xf32, #tpu.memory_space<vmem>>, vector<16xf32>,
      %gt3A_195 = arith.cmpf ogt, %get3A_194, %max3A_190 : vector<16xf32>
      %broadcast_in_dim3A_196 = arith.constant 16 : i32
      %broadcast_in_dim3A_197 = vector.broadcast %broadcast_in_dim3A_196 : i32 to vector<16xi32>
      %select_n3A_198 = arith.select %gt3A_195, %broadcast_in_dim3A_197, %select_n3A_189 : vector<16xi1>, vector<16xi32>
      %max3A_199 = arith.maximumf %max3A_190, %get3A_194 : vector<16xf32>
      %get3A_200 = arith.constant 17 : i32
      %get3A_201 = arith.index_cast %get3A_200 : i32 to index
      %get3A_202 = arith.index_cast %mul3A_50 : i32 to index
      %get3A_203 = tpu.vector_load %arg4[%get3A_201, %get3A_202] {strides = array<i32>} : memref<32x512xf32, #tpu.memory_space<vmem>>, vector<16xf32>,
      %gt3A_204 = arith.cmpf ogt, %get3A_203, %max3A_199 : vector<16xf32>
      %broadcast_in_dim3A_205 = arith.constant 17 : i32
      %broadcast_in_dim3A_206 = vector.broadcast %broadcast_in_dim3A_205 : i32 to vector<16xi32>
      %select_n3A_207 = arith.select %gt3A_204, %broadcast_in_dim3A_206, %select_n3A_198 : vector<16xi1>, vector<16xi32>
      %max3A_208 = arith.maximumf %max3A_199, %get3A_203 : vector<16xf32>
      %get3A_209 = arith.constant 18 : i32
      %get3A_210 = arith.index_cast %get3A_209 : i32 to index
      %get3A_211 = arith.index_cast %mul3A_50 : i32 to index
      %get3A_212 = tpu.vector_load %arg4[%get3A_210, %get3A_211] {strides = array<i32>} : memref<32x512xf32, #tpu.memory_space<vmem>>, vector<16xf32>,
      %gt3A_213 = arith.cmpf ogt, %get3A_212, %max3A_208 : vector<16xf32>
      %broadcast_in_dim3A_214 = arith.constant 18 : i32
      %broadcast_in_dim3A_215 = vector.broadcast %broadcast_in_dim3A_214 : i32 to vector<16xi32>
      %select_n3A_216 = arith.select %gt3A_213, %broadcast_in_dim3A_215, %select_n3A_207 : vector<16xi1>, vector<16xi32>
      %max3A_217 = arith.maximumf %max3A_208, %get3A_212 : vector<16xf32>
      %get3A_218 = arith.constant 19 : i32
      %get3A_219 = arith.index_cast %get3A_218 : i32 to index
      %get3A_220 = arith.index_cast %mul3A_50 : i32 to index
      %get3A_221 = tpu.vector_load %arg4[%get3A_219, %get3A_220] {strides = array<i32>} : memref<32x512xf32, #tpu.memory_space<vmem>>, vector<16xf32>,
      %gt3A_222 = arith.cmpf ogt, %get3A_221, %max3A_217 : vector<16xf32>
      %broadcast_in_dim3A_223 = arith.constant 19 : i32
      %broadcast_in_dim3A_224 = vector.broadcast %broadcast_in_dim3A_223 : i32 to vector<16xi32>
      %select_n3A_225 = arith.select %gt3A_222, %broadcast_in_dim3A_224, %select_n3A_216 : vector<16xi1>, vector<16xi32>
      %max3A_226 = arith.maximumf %max3A_217, %get3A_221 : vector<16xf32>
      %get3A_227 = arith.constant 20 : i32
      %get3A_228 = arith.index_cast %get3A_227 : i32 to index
      %get3A_229 = arith.index_cast %mul3A_50 : i32 to index
      %get3A_230 = tpu.vector_load %arg4[%get3A_228, %get3A_229] {strides = array<i32>} : memref<32x512xf32, #tpu.memory_space<vmem>>, vector<16xf32>,
      %gt3A_231 = arith.cmpf ogt, %get3A_230, %max3A_226 : vector<16xf32>
      %broadcast_in_dim3A_232 = arith.constant 20 : i32
      %broadcast_in_dim3A_233 = vector.broadcast %broadcast_in_dim3A_232 : i32 to vector<16xi32>
      %select_n3A_234 = arith.select %gt3A_231, %broadcast_in_dim3A_233, %select_n3A_225 : vector<16xi1>, vector<16xi32>
      %max3A_235 = arith.maximumf %max3A_226, %get3A_230 : vector<16xf32>
      %get3A_236 = arith.constant 21 : i32
      %get3A_237 = arith.index_cast %get3A_236 : i32 to index
      %get3A_238 = arith.index_cast %mul3A_50 : i32 to index
      %get3A_239 = tpu.vector_load %arg4[%get3A_237, %get3A_238] {strides = array<i32>} : memref<32x512xf32, #tpu.memory_space<vmem>>, vector<16xf32>,
      %gt3A_240 = arith.cmpf ogt, %get3A_239, %max3A_235 : vector<16xf32>
      %broadcast_in_dim3A_241 = arith.constant 21 : i32
      %broadcast_in_dim3A_242 = vector.broadcast %broadcast_in_dim3A_241 : i32 to vector<16xi32>
      %select_n3A_243 = arith.select %gt3A_240, %broadcast_in_dim3A_242, %select_n3A_234 : vector<16xi1>, vector<16xi32>
      %max3A_244 = arith.maximumf %max3A_235, %get3A_239 : vector<16xf32>
      %get3A_245 = arith.constant 22 : i32
      %get3A_246 = arith.index_cast %get3A_245 : i32 to index
      %get3A_247 = arith.index_cast %mul3A_50 : i32 to index
      %get3A_248 = tpu.vector_load %arg4[%get3A_246, %get3A_247] {strides = array<i32>} : memref<32x512xf32, #tpu.memory_space<vmem>>, vector<16xf32>,
      %gt3A_249 = arith.cmpf ogt, %get3A_248, %max3A_244 : vector<16xf32>
      %broadcast_in_dim3A_250 = arith.constant 22 : i32
      %broadcast_in_dim3A_251 = vector.broadcast %broadcast_in_dim3A_250 : i32 to vector<16xi32>
      %select_n3A_252 = arith.select %gt3A_249, %broadcast_in_dim3A_251, %select_n3A_243 : vector<16xi1>, vector<16xi32>
      %max3A_253 = arith.maximumf %max3A_244, %get3A_248 : vector<16xf32>
      %get3A_254 = arith.constant 23 : i32
      %get3A_255 = arith.index_cast %get3A_254 : i32 to index
      %get3A_256 = arith.index_cast %mul3A_50 : i32 to index
      %get3A_257 = tpu.vector_load %arg4[%get3A_255, %get3A_256] {strides = array<i32>} : memref<32x512xf32, #tpu.memory_space<vmem>>, vector<16xf32>,
      %gt3A_258 = arith.cmpf ogt, %get3A_257, %max3A_253 : vector<16xf32>
      %broadcast_in_dim3A_259 = arith.constant 23 : i32
      %broadcast_in_dim3A_260 = vector.broadcast %broadcast_in_dim3A_259 : i32 to vector<16xi32>
      %select_n3A_261 = arith.select %gt3A_258, %broadcast_in_dim3A_260, %select_n3A_252 : vector<16xi1>, vector<16xi32>
      %max3A_262 = arith.maximumf %max3A_253, %get3A_257 : vector<16xf32>
      %get3A_263 = arith.constant 24 : i32
      %get3A_264 = arith.index_cast %get3A_263 : i32 to index
      %get3A_265 = arith.index_cast %mul3A_50 : i32 to index
      %get3A_266 = tpu.vector_load %arg4[%get3A_264, %get3A_265] {strides = array<i32>} : memref<32x512xf32, #tpu.memory_space<vmem>>, vector<16xf32>,
      %gt3A_267 = arith.cmpf ogt, %get3A_266, %max3A_262 : vector<16xf32>
      %broadcast_in_dim3A_268 = arith.constant 24 : i32
      %broadcast_in_dim3A_269 = vector.broadcast %broadcast_in_dim3A_268 : i32 to vector<16xi32>
      %select_n3A_270 = arith.select %gt3A_267, %broadcast_in_dim3A_269, %select_n3A_261 : vector<16xi1>, vector<16xi32>
      %max3A_271 = arith.maximumf %max3A_262, %get3A_266 : vector<16xf32>
      %get3A_272 = arith.constant 25 : i32
      %get3A_273 = arith.index_cast %get3A_272 : i32 to index
      %get3A_274 = arith.index_cast %mul3A_50 : i32 to index
      %get3A_275 = tpu.vector_load %arg4[%get3A_273, %get3A_274] {strides = array<i32>} : memref<32x512xf32, #tpu.memory_space<vmem>>, vector<16xf32>,
      %gt3A_276 = arith.cmpf ogt, %get3A_275, %max3A_271 : vector<16xf32>
      %broadcast_in_dim3A_277 = arith.constant 25 : i32
      %broadcast_in_dim3A_278 = vector.broadcast %broadcast_in_dim3A_277 : i32 to vector<16xi32>
      %select_n3A_279 = arith.select %gt3A_276, %broadcast_in_dim3A_278, %select_n3A_270 : vector<16xi1>, vector<16xi32>
      %max3A_280 = arith.maximumf %max3A_271, %get3A_275 : vector<16xf32>
      %get3A_281 = arith.constant 26 : i32
      %get3A_282 = arith.index_cast %get3A_281 : i32 to index
      %get3A_283 = arith.index_cast %mul3A_50 : i32 to index
      %get3A_284 = tpu.vector_load %arg4[%get3A_282, %get3A_283] {strides = array<i32>} : memref<32x512xf32, #tpu.memory_space<vmem>>, vector<16xf32>,
      %gt3A_285 = arith.cmpf ogt, %get3A_284, %max3A_280 : vector<16xf32>
      %broadcast_in_dim3A_286 = arith.constant 26 : i32
      %broadcast_in_dim3A_287 = vector.broadcast %broadcast_in_dim3A_286 : i32 to vector<16xi32>
      %select_n3A_288 = arith.select %gt3A_285, %broadcast_in_dim3A_287, %select_n3A_279 : vector<16xi1>, vector<16xi32>
      %max3A_289 = arith.maximumf %max3A_280, %get3A_284 : vector<16xf32>
      %get3A_290 = arith.constant 27 : i32
      %get3A_291 = arith.index_cast %get3A_290 : i32 to index
      %get3A_292 = arith.index_cast %mul3A_50 : i32 to index
      %get3A_293 = tpu.vector_load %arg4[%get3A_291, %get3A_292] {strides = array<i32>} : memref<32x512xf32, #tpu.memory_space<vmem>>, vector<16xf32>,
      %gt3A_294 = arith.cmpf ogt, %get3A_293, %max3A_289 : vector<16xf32>
      %broadcast_in_dim3A_295 = arith.constant 27 : i32
      %broadcast_in_dim3A_296 = vector.broadcast %broadcast_in_dim3A_295 : i32 to vector<16xi32>
      %select_n3A_297 = arith.select %gt3A_294, %broadcast_in_dim3A_296, %select_n3A_288 : vector<16xi1>, vector<16xi32>
      %max3A_298 = arith.maximumf %max3A_289, %get3A_293 : vector<16xf32>
      %get3A_299 = arith.constant 28 : i32
      %get3A_300 = arith.index_cast %get3A_299 : i32 to index
      %get3A_301 = arith.index_cast %mul3A_50 : i32 to index
      %get3A_302 = tpu.vector_load %arg4[%get3A_300, %get3A_301] {strides = array<i32>} : memref<32x512xf32, #tpu.memory_space<vmem>>, vector<16xf32>,
      %gt3A_303 = arith.cmpf ogt, %get3A_302, %max3A_298 : vector<16xf32>
      %broadcast_in_dim3A_304 = arith.constant 28 : i32
      %broadcast_in_dim3A_305 = vector.broadcast %broadcast_in_dim3A_304 : i32 to vector<16xi32>
      %select_n3A_306 = arith.select %gt3A_303, %broadcast_in_dim3A_305, %select_n3A_297 : vector<16xi1>, vector<16xi32>
      %max3A_307 = arith.maximumf %max3A_298, %get3A_302 : vector<16xf32>
      %get3A_308 = arith.constant 29 : i32
      %get3A_309 = arith.index_cast %get3A_308 : i32 to index
      %get3A_310 = arith.index_cast %mul3A_50 : i32 to index
      %get3A_311 = tpu.vector_load %arg4[%get3A_309, %get3A_310] {strides = array<i32>} : memref<32x512xf32, #tpu.memory_space<vmem>>, vector<16xf32>,
      %gt3A_312 = arith.cmpf ogt, %get3A_311, %max3A_307 : vector<16xf32>
      %broadcast_in_dim3A_313 = arith.constant 29 : i32
      %broadcast_in_dim3A_314 = vector.broadcast %broadcast_in_dim3A_313 : i32 to vector<16xi32>
      %select_n3A_315 = arith.select %gt3A_312, %broadcast_in_dim3A_314, %select_n3A_306 : vector<16xi1>, vector<16xi32>
      %max3A_316 = arith.maximumf %max3A_307, %get3A_311 : vector<16xf32>
      %get3A_317 = arith.constant 30 : i32
      %get3A_318 = arith.index_cast %get3A_317 : i32 to index
      %get3A_319 = arith.index_cast %mul3A_50 : i32 to index
      %get3A_320 = tpu.vector_load %arg4[%get3A_318, %get3A_319] {strides = array<i32>} : memref<32x512xf32, #tpu.memory_space<vmem>>, vector<16xf32>,
      %gt3A_321 = arith.cmpf ogt, %get3A_320, %max3A_316 : vector<16xf32>
      %broadcast_in_dim3A_322 = arith.constant 30 : i32
      %broadcast_in_dim3A_323 = vector.broadcast %broadcast_in_dim3A_322 : i32 to vector<16xi32>
      %select_n3A_324 = arith.select %gt3A_321, %broadcast_in_dim3A_323, %select_n3A_315 : vector<16xi1>, vector<16xi32>
      %max3A_325 = arith.maximumf %max3A_316, %get3A_320 : vector<16xf32>
      %get3A_326 = arith.constant 31 : i32
      %get3A_327 = arith.index_cast %get3A_326 : i32 to index
      %get3A_328 = arith.index_cast %mul3A_50 : i32 to index
      %get3A_329 = tpu.vector_load %arg4[%get3A_327, %get3A_328] {strides = array<i32>} : memref<32x512xf32, #tpu.memory_space<vmem>>, vector<16xf32>,
      %gt3A_330 = arith.cmpf ogt, %get3A_329, %max3A_325 : vector<16xf32>
      %broadcast_in_dim3A_331 = arith.constant 31 : i32
      %broadcast_in_dim3A_332 = vector.broadcast %broadcast_in_dim3A_331 : i32 to vector<16xi32>
      %select_n3A_333 = arith.select %gt3A_330, %broadcast_in_dim3A_332, %select_n3A_324 : vector<16xi1>, vector<16xi32>
      %max3A_334 = arith.maximumf %max3A_325, %get3A_329 : vector<16xf32>
      %add3A_335 = arith.constant 1 : i32
      %add3A_336 = arith.addi %add3A_335, %mul3A_50 : i32
      %add3A_337 = vector.broadcast %add3A_336 : i32 to vector<16xi32>
      %add3A_338 = arith.addi %add3A_337, %iota3A_23 : vector<16xi32>
      tpu.vector_store_idx %arg6[%add3A_338], %select_n3A_333 : memref<1169xi32, #tpu.memory_space<vmem>>[vector<16xi32>], vector<16xi32>,
    }
    %scan3A_28 = arith.constant 32 : i32
    %dma_wait3A_29 = arith.constant 0 : i32
    %dma_wait3A_30 = tpu.memref_slice %arg2[%dma_wait3A_29, %multiple_of3A_10] : memref<32x32768xf32, #tpu.memory_space<hbm>> -> memref<32x640xf32, #tpu.memory_space<hbm>>
    %dma_wait3A_31 = arith.constant 0 : i32
    %dma_wait3A_32 = tpu.memref_slice %arg2[%dma_wait3A_31, %multiple_of3A_10] : memref<32x32768xf32, #tpu.memory_space<hbm>> -> memref<32x640xf32, #tpu.memory_space<hbm>>
    tpu.wait_dma2 semaphore(%arg9 : memref<!tpu.dma_semaphore, #tpu.memory_space<semaphore_mem>>) src(%dma_wait3A_32 : memref<32x640xf32, #tpu.memory_space<hbm>>) dst(%arg5 : memref<32x640xf32, #tpu.memory_space<vmem>>)
    %iota3A_33 = tpu.iota {dimensions = array<i32: 0>} : vector<16xi32>
    %scan3A_34 = arith.constant 0 : i32
    %scan3A_35 = arith.constant 0 : i32
    %scan3A_36 = arith.constant 40 : i32
    %scan3A_37 = arith.addi %scan3A_35, %scan3A_36 : i32
    %scan3A_38 = arith.constant 1 : i32
    scf.for %scan3A_48 = %scan3A_35 to %scan3A_37 step %scan3A_38  : i32 {
      %mul3A_49 = arith.constant 16 : i32
      %mul3A_50 = arith.muli %scan3A_48, %mul3A_49 : i32
      %get3A = arith.constant 0 : i32
      %get3A_51 = arith.index_cast %get3A : i32 to index
      %get3A_52 = arith.index_cast %mul3A_50 : i32 to index
      %get3A_53 = tpu.vector_load %arg5[%get3A_51, %get3A_52] {strides = array<i32>} : memref<32x640xf32, #tpu.memory_space<vmem>>, vector<16xf32>,
      %broadcast_in_dim3A_54 = arith.constant 0 : i32
      %broadcast_in_dim3A_55 = vector.broadcast %broadcast_in_dim3A_54 : i32 to vector<16xi32>
      %get3A_56 = arith.constant 1 : i32
      %get3A_57 = arith.index_cast %get3A_56 : i32 to index
      %get3A_58 = arith.index_cast %mul3A_50 : i32 to index
      %get3A_59 = tpu.vector_load %arg5[%get3A_57, %get3A_58] {strides = array<i32>} : memref<32x640xf32, #tpu.memory_space<vmem>>, vector<16xf32>,
      %gt3A_60 = arith.cmpf ogt, %get3A_59, %get3A_53 : vector<16xf32>
      %broadcast_in_dim3A_61 = arith.constant 1 : i32
      %broadcast_in_dim3A_62 = vector.broadcast %broadcast_in_dim3A_61 : i32 to vector<16xi32>
      %select_n3A_63 = arith.select %gt3A_60, %broadcast_in_dim3A_62, %broadcast_in_dim3A_55 : vector<16xi1>, vector<16xi32>
      %max3A_64 = arith.maximumf %get3A_53, %get3A_59 : vector<16xf32>
      %get3A_65 = arith.constant 2 : i32
      %get3A_66 = arith.index_cast %get3A_65 : i32 to index
      %get3A_67 = arith.index_cast %mul3A_50 : i32 to index
      %get3A_68 = tpu.vector_load %arg5[%get3A_66, %get3A_67] {strides = array<i32>} : memref<32x640xf32, #tpu.memory_space<vmem>>, vector<16xf32>,
      %gt3A_69 = arith.cmpf ogt, %get3A_68, %max3A_64 : vector<16xf32>
      %broadcast_in_dim3A_70 = arith.constant 2 : i32
      %broadcast_in_dim3A_71 = vector.broadcast %broadcast_in_dim3A_70 : i32 to vector<16xi32>
      %select_n3A_72 = arith.select %gt3A_69, %broadcast_in_dim3A_71, %select_n3A_63 : vector<16xi1>, vector<16xi32>
      %max3A_73 = arith.maximumf %max3A_64, %get3A_68 : vector<16xf32>
      %get3A_74 = arith.constant 3 : i32
      %get3A_75 = arith.index_cast %get3A_74 : i32 to index
      %get3A_76 = arith.index_cast %mul3A_50 : i32 to index
      %get3A_77 = tpu.vector_load %arg5[%get3A_75, %get3A_76] {strides = array<i32>} : memref<32x640xf32, #tpu.memory_space<vmem>>, vector<16xf32>,
      %gt3A_78 = arith.cmpf ogt, %get3A_77, %max3A_73 : vector<16xf32>
      %broadcast_in_dim3A_79 = arith.constant 3 : i32
      %broadcast_in_dim3A_80 = vector.broadcast %broadcast_in_dim3A_79 : i32 to vector<16xi32>
      %select_n3A_81 = arith.select %gt3A_78, %broadcast_in_dim3A_80, %select_n3A_72 : vector<16xi1>, vector<16xi32>
      %max3A_82 = arith.maximumf %max3A_73, %get3A_77 : vector<16xf32>
      %get3A_83 = arith.constant 4 : i32
      %get3A_84 = arith.index_cast %get3A_83 : i32 to index
      %get3A_85 = arith.index_cast %mul3A_50 : i32 to index
      %get3A_86 = tpu.vector_load %arg5[%get3A_84, %get3A_85] {strides = array<i32>} : memref<32x640xf32, #tpu.memory_space<vmem>>, vector<16xf32>,
      %gt3A_87 = arith.cmpf ogt, %get3A_86, %max3A_82 : vector<16xf32>
      %broadcast_in_dim3A_88 = arith.constant 4 : i32
      %broadcast_in_dim3A_89 = vector.broadcast %broadcast_in_dim3A_88 : i32 to vector<16xi32>
      %select_n3A_90 = arith.select %gt3A_87, %broadcast_in_dim3A_89, %select_n3A_81 : vector<16xi1>, vector<16xi32>
      %max3A_91 = arith.maximumf %max3A_82, %get3A_86 : vector<16xf32>
      %get3A_92 = arith.constant 5 : i32
      %get3A_93 = arith.index_cast %get3A_92 : i32 to index
      %get3A_94 = arith.index_cast %mul3A_50 : i32 to index
      %get3A_95 = tpu.vector_load %arg5[%get3A_93, %get3A_94] {strides = array<i32>} : memref<32x640xf32, #tpu.memory_space<vmem>>, vector<16xf32>,
      %gt3A_96 = arith.cmpf ogt, %get3A_95, %max3A_91 : vector<16xf32>
      %broadcast_in_dim3A_97 = arith.constant 5 : i32
      %broadcast_in_dim3A_98 = vector.broadcast %broadcast_in_dim3A_97 : i32 to vector<16xi32>
      %select_n3A_99 = arith.select %gt3A_96, %broadcast_in_dim3A_98, %select_n3A_90 : vector<16xi1>, vector<16xi32>
      %max3A_100 = arith.maximumf %max3A_91, %get3A_95 : vector<16xf32>
      %get3A_101 = arith.constant 6 : i32
      %get3A_102 = arith.index_cast %get3A_101 : i32 to index
      %get3A_103 = arith.index_cast %mul3A_50 : i32 to index
      %get3A_104 = tpu.vector_load %arg5[%get3A_102, %get3A_103] {strides = array<i32>} : memref<32x640xf32, #tpu.memory_space<vmem>>, vector<16xf32>,
      %gt3A_105 = arith.cmpf ogt, %get3A_104, %max3A_100 : vector<16xf32>
      %broadcast_in_dim3A_106 = arith.constant 6 : i32
      %broadcast_in_dim3A_107 = vector.broadcast %broadcast_in_dim3A_106 : i32 to vector<16xi32>
      %select_n3A_108 = arith.select %gt3A_105, %broadcast_in_dim3A_107, %select_n3A_99 : vector<16xi1>, vector<16xi32>
      %max3A_109 = arith.maximumf %max3A_100, %get3A_104 : vector<16xf32>
      %get3A_110 = arith.constant 7 : i32
      %get3A_111 = arith.index_cast %get3A_110 : i32 to index
      %get3A_112 = arith.index_cast %mul3A_50 : i32 to index
      %get3A_113 = tpu.vector_load %arg5[%get3A_111, %get3A_112] {strides = array<i32>} : memref<32x640xf32, #tpu.memory_space<vmem>>, vector<16xf32>,
      %gt3A_114 = arith.cmpf ogt, %get3A_113, %max3A_109 : vector<16xf32>
      %broadcast_in_dim3A_115 = arith.constant 7 : i32
      %broadcast_in_dim3A_116 = vector.broadcast %broadcast_in_dim3A_115 : i32 to vector<16xi32>
      %select_n3A_117 = arith.select %gt3A_114, %broadcast_in_dim3A_116, %select_n3A_108 : vector<16xi1>, vector<16xi32>
      %max3A_118 = arith.maximumf %max3A_109, %get3A_113 : vector<16xf32>
      %get3A_119 = arith.constant 8 : i32
      %get3A_120 = arith.index_cast %get3A_119 : i32 to index
      %get3A_121 = arith.index_cast %mul3A_50 : i32 to index
      %get3A_122 = tpu.vector_load %arg5[%get3A_120, %get3A_121] {strides = array<i32>} : memref<32x640xf32, #tpu.memory_space<vmem>>, vector<16xf32>,
      %gt3A_123 = arith.cmpf ogt, %get3A_122, %max3A_118 : vector<16xf32>
      %broadcast_in_dim3A_124 = arith.constant 8 : i32
      %broadcast_in_dim3A_125 = vector.broadcast %broadcast_in_dim3A_124 : i32 to vector<16xi32>
      %select_n3A_126 = arith.select %gt3A_123, %broadcast_in_dim3A_125, %select_n3A_117 : vector<16xi1>, vector<16xi32>
      %max3A_127 = arith.maximumf %max3A_118, %get3A_122 : vector<16xf32>
      %get3A_128 = arith.constant 9 : i32
      %get3A_129 = arith.index_cast %get3A_128 : i32 to index
      %get3A_130 = arith.index_cast %mul3A_50 : i32 to index
      %get3A_131 = tpu.vector_load %arg5[%get3A_129, %get3A_130] {strides = array<i32>} : memref<32x640xf32, #tpu.memory_space<vmem>>, vector<16xf32>,
      %gt3A_132 = arith.cmpf ogt, %get3A_131, %max3A_127 : vector<16xf32>
      %broadcast_in_dim3A_133 = arith.constant 9 : i32
      %broadcast_in_dim3A_134 = vector.broadcast %broadcast_in_dim3A_133 : i32 to vector<16xi32>
      %select_n3A_135 = arith.select %gt3A_132, %broadcast_in_dim3A_134, %select_n3A_126 : vector<16xi1>, vector<16xi32>
      %max3A_136 = arith.maximumf %max3A_127, %get3A_131 : vector<16xf32>
      %get3A_137 = arith.constant 10 : i32
      %get3A_138 = arith.index_cast %get3A_137 : i32 to index
      %get3A_139 = arith.index_cast %mul3A_50 : i32 to index
      %get3A_140 = tpu.vector_load %arg5[%get3A_138, %get3A_139] {strides = array<i32>} : memref<32x640xf32, #tpu.memory_space<vmem>>, vector<16xf32>,
      %gt3A_141 = arith.cmpf ogt, %get3A_140, %max3A_136 : vector<16xf32>
      %broadcast_in_dim3A_142 = arith.constant 10 : i32
      %broadcast_in_dim3A_143 = vector.broadcast %broadcast_in_dim3A_142 : i32 to vector<16xi32>
      %select_n3A_144 = arith.select %gt3A_141, %broadcast_in_dim3A_143, %select_n3A_135 : vector<16xi1>, vector<16xi32>
      %max3A_145 = arith.maximumf %max3A_136, %get3A_140 : vector<16xf32>
      %get3A_146 = arith.constant 11 : i32
      %get3A_147 = arith.index_cast %get3A_146 : i32 to index
      %get3A_148 = arith.index_cast %mul3A_50 : i32 to index
      %get3A_149 = tpu.vector_load %arg5[%get3A_147, %get3A_148] {strides = array<i32>} : memref<32x640xf32, #tpu.memory_space<vmem>>, vector<16xf32>,
      %gt3A_150 = arith.cmpf ogt, %get3A_149, %max3A_145 : vector<16xf32>
      %broadcast_in_dim3A_151 = arith.constant 11 : i32
      %broadcast_in_dim3A_152 = vector.broadcast %broadcast_in_dim3A_151 : i32 to vector<16xi32>
      %select_n3A_153 = arith.select %gt3A_150, %broadcast_in_dim3A_152, %select_n3A_144 : vector<16xi1>, vector<16xi32>
      %max3A_154 = arith.maximumf %max3A_145, %get3A_149 : vector<16xf32>
      %get3A_155 = arith.constant 12 : i32
      %get3A_156 = arith.index_cast %get3A_155 : i32 to index
      %get3A_157 = arith.index_cast %mul3A_50 : i32 to index
      %get3A_158 = tpu.vector_load %arg5[%get3A_156, %get3A_157] {strides = array<i32>} : memref<32x640xf32, #tpu.memory_space<vmem>>, vector<16xf32>,
      %gt3A_159 = arith.cmpf ogt, %get3A_158, %max3A_154 : vector<16xf32>
      %broadcast_in_dim3A_160 = arith.constant 12 : i32
      %broadcast_in_dim3A_161 = vector.broadcast %broadcast_in_dim3A_160 : i32 to vector<16xi32>
      %select_n3A_162 = arith.select %gt3A_159, %broadcast_in_dim3A_161, %select_n3A_153 : vector<16xi1>, vector<16xi32>
      %max3A_163 = arith.maximumf %max3A_154, %get3A_158 : vector<16xf32>
      %get3A_164 = arith.constant 13 : i32
      %get3A_165 = arith.index_cast %get3A_164 : i32 to index
      %get3A_166 = arith.index_cast %mul3A_50 : i32 to index
      %get3A_167 = tpu.vector_load %arg5[%get3A_165, %get3A_166] {strides = array<i32>} : memref<32x640xf32, #tpu.memory_space<vmem>>, vector<16xf32>,
      %gt3A_168 = arith.cmpf ogt, %get3A_167, %max3A_163 : vector<16xf32>
      %broadcast_in_dim3A_169 = arith.constant 13 : i32
      %broadcast_in_dim3A_170 = vector.broadcast %broadcast_in_dim3A_169 : i32 to vector<16xi32>
      %select_n3A_171 = arith.select %gt3A_168, %broadcast_in_dim3A_170, %select_n3A_162 : vector<16xi1>, vector<16xi32>
      %max3A_172 = arith.maximumf %max3A_163, %get3A_167 : vector<16xf32>
      %get3A_173 = arith.constant 14 : i32
      %get3A_174 = arith.index_cast %get3A_173 : i32 to index
      %get3A_175 = arith.index_cast %mul3A_50 : i32 to index
      %get3A_176 = tpu.vector_load %arg5[%get3A_174, %get3A_175] {strides = array<i32>} : memref<32x640xf32, #tpu.memory_space<vmem>>, vector<16xf32>,
      %gt3A_177 = arith.cmpf ogt, %get3A_176, %max3A_172 : vector<16xf32>
      %broadcast_in_dim3A_178 = arith.constant 14 : i32
      %broadcast_in_dim3A_179 = vector.broadcast %broadcast_in_dim3A_178 : i32 to vector<16xi32>
      %select_n3A_180 = arith.select %gt3A_177, %broadcast_in_dim3A_179, %select_n3A_171 : vector<16xi1>, vector<16xi32>
      %max3A_181 = arith.maximumf %max3A_172, %get3A_176 : vector<16xf32>
      %get3A_182 = arith.constant 15 : i32
      %get3A_183 = arith.index_cast %get3A_182 : i32 to index
      %get3A_184 = arith.index_cast %mul3A_50 : i32 to index
      %get3A_185 = tpu.vector_load %arg5[%get3A_183, %get3A_184] {strides = array<i32>} : memref<32x640xf32, #tpu.memory_space<vmem>>, vector<16xf32>,
      %gt3A_186 = arith.cmpf ogt, %get3A_185, %max3A_181 : vector<16xf32>
      %broadcast_in_dim3A_187 = arith.constant 15 : i32
      %broadcast_in_dim3A_188 = vector.broadcast %broadcast_in_dim3A_187 : i32 to vector<16xi32>
      %select_n3A_189 = arith.select %gt3A_186, %broadcast_in_dim3A_188, %select_n3A_180 : vector<16xi1>, vector<16xi32>
      %max3A_190 = arith.maximumf %max3A_181, %get3A_185 : vector<16xf32>
      %get3A_191 = arith.constant 16 : i32
      %get3A_192 = arith.index_cast %get3A_191 : i32 to index
      %get3A_193 = arith.index_cast %mul3A_50 : i32 to index
      %get3A_194 = tpu.vector_load %arg5[%get3A_192, %get3A_193] {strides = array<i32>} : memref<32x640xf32, #tpu.memory_space<vmem>>, vector<16xf32>,
      %gt3A_195 = arith.cmpf ogt, %get3A_194, %max3A_190 : vector<16xf32>
      %broadcast_in_dim3A_196 = arith.constant 16 : i32
      %broadcast_in_dim3A_197 = vector.broadcast %broadcast_in_dim3A_196 : i32 to vector<16xi32>
      %select_n3A_198 = arith.select %gt3A_195, %broadcast_in_dim3A_197, %select_n3A_189 : vector<16xi1>, vector<16xi32>
      %max3A_199 = arith.maximumf %max3A_190, %get3A_194 : vector<16xf32>
      %get3A_200 = arith.constant 17 : i32
      %get3A_201 = arith.index_cast %get3A_200 : i32 to index
      %get3A_202 = arith.index_cast %mul3A_50 : i32 to index
      %get3A_203 = tpu.vector_load %arg5[%get3A_201, %get3A_202] {strides = array<i32>} : memref<32x640xf32, #tpu.memory_space<vmem>>, vector<16xf32>,
      %gt3A_204 = arith.cmpf ogt, %get3A_203, %max3A_199 : vector<16xf32>
      %broadcast_in_dim3A_205 = arith.constant 17 : i32
      %broadcast_in_dim3A_206 = vector.broadcast %broadcast_in_dim3A_205 : i32 to vector<16xi32>
      %select_n3A_207 = arith.select %gt3A_204, %broadcast_in_dim3A_206, %select_n3A_198 : vector<16xi1>, vector<16xi32>
      %max3A_208 = arith.maximumf %max3A_199, %get3A_203 : vector<16xf32>
      %get3A_209 = arith.constant 18 : i32
      %get3A_210 = arith.index_cast %get3A_209 : i32 to index
      %get3A_211 = arith.index_cast %mul3A_50 : i32 to index
      %get3A_212 = tpu.vector_load %arg5[%get3A_210, %get3A_211] {strides = array<i32>} : memref<32x640xf32, #tpu.memory_space<vmem>>, vector<16xf32>,
      %gt3A_213 = arith.cmpf ogt, %get3A_212, %max3A_208 : vector<16xf32>
      %broadcast_in_dim3A_214 = arith.constant 18 : i32
      %broadcast_in_dim3A_215 = vector.broadcast %broadcast_in_dim3A_214 : i32 to vector<16xi32>
      %select_n3A_216 = arith.select %gt3A_213, %broadcast_in_dim3A_215, %select_n3A_207 : vector<16xi1>, vector<16xi32>
      %max3A_217 = arith.maximumf %max3A_208, %get3A_212 : vector<16xf32>
      %get3A_218 = arith.constant 19 : i32
      %get3A_219 = arith.index_cast %get3A_218 : i32 to index
      %get3A_220 = arith.index_cast %mul3A_50 : i32 to index
      %get3A_221 = tpu.vector_load %arg5[%get3A_219, %get3A_220] {strides = array<i32>} : memref<32x640xf32, #tpu.memory_space<vmem>>, vector<16xf32>,
      %gt3A_222 = arith.cmpf ogt, %get3A_221, %max3A_217 : vector<16xf32>
      %broadcast_in_dim3A_223 = arith.constant 19 : i32
      %broadcast_in_dim3A_224 = vector.broadcast %broadcast_in_dim3A_223 : i32 to vector<16xi32>
      %select_n3A_225 = arith.select %gt3A_222, %broadcast_in_dim3A_224, %select_n3A_216 : vector<16xi1>, vector<16xi32>
      %max3A_226 = arith.maximumf %max3A_217, %get3A_221 : vector<16xf32>
      %get3A_227 = arith.constant 20 : i32
      %get3A_228 = arith.index_cast %get3A_227 : i32 to index
      %get3A_229 = arith.index_cast %mul3A_50 : i32 to index
      %get3A_230 = tpu.vector_load %arg5[%get3A_228, %get3A_229] {strides = array<i32>} : memref<32x640xf32, #tpu.memory_space<vmem>>, vector<16xf32>,
      %gt3A_231 = arith.cmpf ogt, %get3A_230, %max3A_226 : vector<16xf32>
      %broadcast_in_dim3A_232 = arith.constant 20 : i32
      %broadcast_in_dim3A_233 = vector.broadcast %broadcast_in_dim3A_232 : i32 to vector<16xi32>
      %select_n3A_234 = arith.select %gt3A_231, %broadcast_in_dim3A_233, %select_n3A_225 : vector<16xi1>, vector<16xi32>
      %max3A_235 = arith.maximumf %max3A_226, %get3A_230 : vector<16xf32>
      %get3A_236 = arith.constant 21 : i32
      %get3A_237 = arith.index_cast %get3A_236 : i32 to index
      %get3A_238 = arith.index_cast %mul3A_50 : i32 to index
      %get3A_239 = tpu.vector_load %arg5[%get3A_237, %get3A_238] {strides = array<i32>} : memref<32x640xf32, #tpu.memory_space<vmem>>, vector<16xf32>,
      %gt3A_240 = arith.cmpf ogt, %get3A_239, %max3A_235 : vector<16xf32>
      %broadcast_in_dim3A_241 = arith.constant 21 : i32
      %broadcast_in_dim3A_242 = vector.broadcast %broadcast_in_dim3A_241 : i32 to vector<16xi32>
      %select_n3A_243 = arith.select %gt3A_240, %broadcast_in_dim3A_242, %select_n3A_234 : vector<16xi1>, vector<16xi32>
      %max3A_244 = arith.maximumf %max3A_235, %get3A_239 : vector<16xf32>
      %get3A_245 = arith.constant 22 : i32
      %get3A_246 = arith.index_cast %get3A_245 : i32 to index
      %get3A_247 = arith.index_cast %mul3A_50 : i32 to index
      %get3A_248 = tpu.vector_load %arg5[%get3A_246, %get3A_247] {strides = array<i32>} : memref<32x640xf32, #tpu.memory_space<vmem>>, vector<16xf32>,
      %gt3A_249 = arith.cmpf ogt, %get3A_248, %max3A_244 : vector<16xf32>
      %broadcast_in_dim3A_250 = arith.constant 22 : i32
      %broadcast_in_dim3A_251 = vector.broadcast %broadcast_in_dim3A_250 : i32 to vector<16xi32>
      %select_n3A_252 = arith.select %gt3A_249, %broadcast_in_dim3A_251, %select_n3A_243 : vector<16xi1>, vector<16xi32>
      %max3A_253 = arith.maximumf %max3A_244, %get3A_248 : vector<16xf32>
      %get3A_254 = arith.constant 23 : i32
      %get3A_255 = arith.index_cast %get3A_254 : i32 to index
      %get3A_256 = arith.index_cast %mul3A_50 : i32 to index
      %get3A_257 = tpu.vector_load %arg5[%get3A_255, %get3A_256] {strides = array<i32>} : memref<32x640xf32, #tpu.memory_space<vmem>>, vector<16xf32>,
      %gt3A_258 = arith.cmpf ogt, %get3A_257, %max3A_253 : vector<16xf32>
      %broadcast_in_dim3A_259 = arith.constant 23 : i32
      %broadcast_in_dim3A_260 = vector.broadcast %broadcast_in_dim3A_259 : i32 to vector<16xi32>
      %select_n3A_261 = arith.select %gt3A_258, %broadcast_in_dim3A_260, %select_n3A_252 : vector<16xi1>, vector<16xi32>
      %max3A_262 = arith.maximumf %max3A_253, %get3A_257 : vector<16xf32>
      %get3A_263 = arith.constant 24 : i32
      %get3A_264 = arith.index_cast %get3A_263 : i32 to index
      %get3A_265 = arith.index_cast %mul3A_50 : i32 to index
      %get3A_266 = tpu.vector_load %arg5[%get3A_264, %get3A_265] {strides = array<i32>} : memref<32x640xf32, #tpu.memory_space<vmem>>, vector<16xf32>,
      %gt3A_267 = arith.cmpf ogt, %get3A_266, %max3A_262 : vector<16xf32>
      %broadcast_in_dim3A_268 = arith.constant 24 : i32
      %broadcast_in_dim3A_269 = vector.broadcast %broadcast_in_dim3A_268 : i32 to vector<16xi32>
      %select_n3A_270 = arith.select %gt3A_267, %broadcast_in_dim3A_269, %select_n3A_261 : vector<16xi1>, vector<16xi32>
      %max3A_271 = arith.maximumf %max3A_262, %get3A_266 : vector<16xf32>
      %get3A_272 = arith.constant 25 : i32
      %get3A_273 = arith.index_cast %get3A_272 : i32 to index
      %get3A_274 = arith.index_cast %mul3A_50 : i32 to index
      %get3A_275 = tpu.vector_load %arg5[%get3A_273, %get3A_274] {strides = array<i32>} : memref<32x640xf32, #tpu.memory_space<vmem>>, vector<16xf32>,
      %gt3A_276 = arith.cmpf ogt, %get3A_275, %max3A_271 : vector<16xf32>
      %broadcast_in_dim3A_277 = arith.constant 25 : i32
      %broadcast_in_dim3A_278 = vector.broadcast %broadcast_in_dim3A_277 : i32 to vector<16xi32>
      %select_n3A_279 = arith.select %gt3A_276, %broadcast_in_dim3A_278, %select_n3A_270 : vector<16xi1>, vector<16xi32>
      %max3A_280 = arith.maximumf %max3A_271, %get3A_275 : vector<16xf32>
      %get3A_281 = arith.constant 26 : i32
      %get3A_282 = arith.index_cast %get3A_281 : i32 to index
      %get3A_283 = arith.index_cast %mul3A_50 : i32 to index
      %get3A_284 = tpu.vector_load %arg5[%get3A_282, %get3A_283] {strides = array<i32>} : memref<32x640xf32, #tpu.memory_space<vmem>>, vector<16xf32>,
      %gt3A_285 = arith.cmpf ogt, %get3A_284, %max3A_280 : vector<16xf32>
      %broadcast_in_dim3A_286 = arith.constant 26 : i32
      %broadcast_in_dim3A_287 = vector.broadcast %broadcast_in_dim3A_286 : i32 to vector<16xi32>
      %select_n3A_288 = arith.select %gt3A_285, %broadcast_in_dim3A_287, %select_n3A_279 : vector<16xi1>, vector<16xi32>
      %max3A_289 = arith.maximumf %max3A_280, %get3A_284 : vector<16xf32>
      %get3A_290 = arith.constant 27 : i32
      %get3A_291 = arith.index_cast %get3A_290 : i32 to index
      %get3A_292 = arith.index_cast %mul3A_50 : i32 to index
      %get3A_293 = tpu.vector_load %arg5[%get3A_291, %get3A_292] {strides = array<i32>} : memref<32x640xf32, #tpu.memory_space<vmem>>, vector<16xf32>,
      %gt3A_294 = arith.cmpf ogt, %get3A_293, %max3A_289 : vector<16xf32>
      %broadcast_in_dim3A_295 = arith.constant 27 : i32
      %broadcast_in_dim3A_296 = vector.broadcast %broadcast_in_dim3A_295 : i32 to vector<16xi32>
      %select_n3A_297 = arith.select %gt3A_294, %broadcast_in_dim3A_296, %select_n3A_288 : vector<16xi1>, vector<16xi32>
      %max3A_298 = arith.maximumf %max3A_289, %get3A_293 : vector<16xf32>
      %get3A_299 = arith.constant 28 : i32
      %get3A_300 = arith.index_cast %get3A_299 : i32 to index
      %get3A_301 = arith.index_cast %mul3A_50 : i32 to index
      %get3A_302 = tpu.vector_load %arg5[%get3A_300, %get3A_301] {strides = array<i32>} : memref<32x640xf32, #tpu.memory_space<vmem>>, vector<16xf32>,
      %gt3A_303 = arith.cmpf ogt, %get3A_302, %max3A_298 : vector<16xf32>
      %broadcast_in_dim3A_304 = arith.constant 28 : i32
      %broadcast_in_dim3A_305 = vector.broadcast %broadcast_in_dim3A_304 : i32 to vector<16xi32>
      %select_n3A_306 = arith.select %gt3A_303, %broadcast_in_dim3A_305, %select_n3A_297 : vector<16xi1>, vector<16xi32>
      %max3A_307 = arith.maximumf %max3A_298, %get3A_302 : vector<16xf32>
      %get3A_308 = arith.constant 29 : i32
      %get3A_309 = arith.index_cast %get3A_308 : i32 to index
      %get3A_310 = arith.index_cast %mul3A_50 : i32 to index
      %get3A_311 = tpu.vector_load %arg5[%get3A_309, %get3A_310] {strides = array<i32>} : memref<32x640xf32, #tpu.memory_space<vmem>>, vector<16xf32>,
      %gt3A_312 = arith.cmpf ogt, %get3A_311, %max3A_307 : vector<16xf32>
      %broadcast_in_dim3A_313 = arith.constant 29 : i32
      %broadcast_in_dim3A_314 = vector.broadcast %broadcast_in_dim3A_313 : i32 to vector<16xi32>
      %select_n3A_315 = arith.select %gt3A_312, %broadcast_in_dim3A_314, %select_n3A_306 : vector<16xi1>, vector<16xi32>
      %max3A_316 = arith.maximumf %max3A_307, %get3A_311 : vector<16xf32>
      %get3A_317 = arith.constant 30 : i32
      %get3A_318 = arith.index_cast %get3A_317 : i32 to index
      %get3A_319 = arith.index_cast %mul3A_50 : i32 to index
      %get3A_320 = tpu.vector_load %arg5[%get3A_318, %get3A_319] {strides = array<i32>} : memref<32x640xf32, #tpu.memory_space<vmem>>, vector<16xf32>,
      %gt3A_321 = arith.cmpf ogt, %get3A_320, %max3A_316 : vector<16xf32>
      %broadcast_in_dim3A_322 = arith.constant 30 : i32
      %broadcast_in_dim3A_323 = vector.broadcast %broadcast_in_dim3A_322 : i32 to vector<16xi32>
      %select_n3A_324 = arith.select %gt3A_321, %broadcast_in_dim3A_323, %select_n3A_315 : vector<16xi1>, vector<16xi32>
      %max3A_325 = arith.maximumf %max3A_316, %get3A_320 : vector<16xf32>
      %get3A_326 = arith.constant 31 : i32
      %get3A_327 = arith.index_cast %get3A_326 : i32 to index
      %get3A_328 = arith.index_cast %mul3A_50 : i32 to index
      %get3A_329 = tpu.vector_load %arg5[%get3A_327, %get3A_328] {strides = array<i32>} : memref<32x640xf32, #tpu.memory_space<vmem>>, vector<16xf32>,
      %gt3A_330 = arith.cmpf ogt, %get3A_329, %max3A_325 : vector<16xf32>
      %broadcast_in_dim3A_331 = arith.constant 31 : i32
      %broadcast_in_dim3A_332 = vector.broadcast %broadcast_in_dim3A_331 : i32 to vector<16xi32>
      %select_n3A_333 = arith.select %gt3A_330, %broadcast_in_dim3A_332, %select_n3A_324 : vector<16xi1>, vector<16xi32>
      %max3A_334 = arith.maximumf %max3A_325, %get3A_329 : vector<16xf32>
      %add3A_335 = arith.constant 513 : i32
      %add3A_336 = arith.addi %add3A_335, %mul3A_50 : i32
      %add3A_337 = vector.broadcast %add3A_336 : i32 to vector<16xi32>
      %add3A_338 = arith.addi %add3A_337, %iota3A_33 : vector<16xi32>
      tpu.vector_store_idx %arg6[%add3A_338], %select_n3A_333 : memref<1169xi32, #tpu.memory_space<vmem>>[vector<16xi32>], vector<16xi32>,
    }
    %scan3A_39 = arith.constant 40 : i32
    %gt3A = arith.constant 0 : i32
    %gt3A_40 = arith.cmpi sgt, %add3A, %gt3A : i32
    %jit3A = arith.constant 129 : i32
    %jit3A_41 = arith.constant 1 : i32
    %select_n3A = arith.select %gt3A_40, %jit3A, %jit3A_41 : i32
    %scan3A_42 = arith.constant 0 : i32
    %scan3A_43 = arith.constant 0 : i32
    %scan3A_44 = arith.constant 64 : i32
    %scan3A_45 = arith.addi %scan3A_43, %scan3A_44 : i32
    %scan3A_46 = arith.constant 1 : i32
    scf.for %scan3A_48 = %scan3A_43 to %scan3A_45 step %scan3A_46  : i32 {
      %mul3A_49 = arith.constant 16 : i32
      %mul3A_50 = arith.muli %scan3A_48, %mul3A_49 : i32
      %add3A_51 = arith.addi %select_n3A, %mul3A_50 : i32
      %add3A_52 = vector.broadcast %add3A_51 : i32 to vector<16xi32>
      %add3A_53 = arith.addi %add3A_52, %iota3A : vector<16xi32>
      %gather3A = tpu.vector_load_idx %arg6[%add3A_53] : memref<1169xi32, #tpu.memory_space<vmem>>[vector<16xi32>], vector<16xi32>,
      %sub3A_54 = arith.constant 1 : i32
      %sub3A_55 = arith.subi %select_n3A, %sub3A_54 : i32
      %mul3A_56 = arith.constant 16 : i32
      %mul3A_57 = arith.muli %scan3A_48, %mul3A_56 : i32
      %add3A_58 = arith.addi %sub3A_55, %mul3A_57 : i32
      %add3A_59 = vector.broadcast %add3A_58 : i32 to vector<16xi32>
      %add3A_60 = arith.addi %add3A_59, %iota3A : vector<16xi32>
      %gather3A_61 = tpu.vector_load_idx %arg6[%add3A_60] : memref<1169xi32, #tpu.memory_space<vmem>>[vector<16xi32>], vector<16xi32>,
      %ne3A = arith.cmpi ne, %gather3A, %gather3A_61 : vector<16xi32>
      %ne3A_62 = arith.constant 0 : i32
      %ne3A_63 = vector.broadcast %ne3A_62 : i32 to vector<16xi32>
      %ne3A_64 = arith.cmpi ne, %gather3A, %ne3A_63 : vector<16xi32>
      %and3A = arith.andi %ne3A, %ne3A_64 : vector<16xi1>
      %broadcast_in_dim3A_65 = arith.constant -1 : i32
      %broadcast_in_dim3A_66 = vector.broadcast %broadcast_in_dim3A_65 : i32 to vector<16xi32>
      %select_n3A_67 = arith.select %and3A, %gather3A, %broadcast_in_dim3A_66 : vector<16xi1>, vector<16xi32>
      %mul3A_68 = arith.constant 16 : i32
      %mul3A_69 = arith.muli %scan3A_48, %mul3A_68 : i32
      %swap3A = arith.index_cast %mul3A_69 : i32 to index
      %swap3A_70 = tpu.vector_load %arg7[%swap3A] {strides = array<i32>} : memref<1024xi32, #tpu.memory_space<vmem>>, vector<16xi32>,
      tpu.vector_store %arg7[%swap3A], %select_n3A_67 {strides = array<i32>} : memref<1024xi32, #tpu.memory_space<vmem>>, vector<16xi32>,
    }
    %scan3A_47 = arith.constant 64 : i32
    "tpu.region"() ({
      %run_scoped3A = tpu.sem_alloc : memref<!tpu.dma_semaphore, #tpu.memory_space<semaphore_mem>>
      %dma_start3A_48 = tpu.memref_slice %arg3[%mul3A_2] : memref<32768xi32, #tpu.memory_space<hbm>> -> memref<1024xi32, #tpu.memory_space<hbm>>
      %dma_start3A_49 = tpu.memref_slice %arg3[%mul3A_2] : memref<32768xi32, #tpu.memory_space<hbm>> -> memref<1024xi32, #tpu.memory_space<hbm>>
      tpu.enqueue_dma source(%arg7 : memref<1024xi32, #tpu.memory_space<vmem>>) target(%dma_start3A_49 : memref<1024xi32, #tpu.memory_space<hbm>>) target_semaphore(%run_scoped3A : memref<!tpu.dma_semaphore, #tpu.memory_space<semaphore_mem>>)
      %dma_wait3A_50 = tpu.memref_slice %arg3[%mul3A_2] : memref<32768xi32, #tpu.memory_space<hbm>> -> memref<1024xi32, #tpu.memory_space<hbm>>
      %dma_wait3A_51 = tpu.memref_slice %arg3[%mul3A_2] : memref<32768xi32, #tpu.memory_space<hbm>> -> memref<1024xi32, #tpu.memory_space<hbm>>
      tpu.wait_dma2 semaphore(%run_scoped3A : memref<!tpu.dma_semaphore, #tpu.memory_space<semaphore_mem>>) src(%arg7 : memref<1024xi32, #tpu.memory_space<vmem>>) dst(%dma_wait3A_51 : memref<1024xi32, #tpu.memory_space<hbm>>)
      tpu.yield
    }) : () -> ()
    return
  }
}

</mosaic_0001>

<sc_bundles>
// kernel: kernel.3.cloned.1.call-start
scs
__scs_entry_jumppad:
0x0: {  	(pc) =	sbr.rel $0x88, $3  }
0x1: {  	(tag) =	ssettag $0x0;
	lr =	simm.s32 $0x1  }
0x2: {  	[smem:$0x3FA0] =	sst lr;
	_ =	strace $0xD0000000  }
0x3: {  	_ = 	snop  }
0x4: {  	_ = 	snop  }
0x5: {  	_ = 	snop  }
0x6: {  	_ = 	snop  }
0x7: {  	_ = 	snop  }
__scs_overlays_trampoline_lowered:
0x8: {  	[smem:$0x3FAF] =	sst s0  }
0x9: {  	[smem:$0x3FB0] =	sst s1  }
0xa: {  	[smem:$0x3FB1] =	sst s2  }
0xb: {  	[smem:$0x3FB2] =	sst s3  }
0xc: {  	[smem:$0x3FB3] =	sst s4  }
0xd: {  	[smem:$0x3FB4] =	sst s5  }
0xe: {  	[smem:$0x3FB5] =	sst s6  }
0xf: {  	[smem:$0x3FB6] =	sst s7  }
0x10: {  	[smem:$0x3FB7] =	sst s8  }
0x11: {  	[smem:$0x3FB8] =	sst s9;
	s0 =	simm.s32 @!p0 $0x0  }
0x12: {  	s1 =	sld [smem:$0x3F9E];
	s0 =	simm.s32 @p0 $0x1  }
0x13: {  	[smem:$0x3FB9] =	sst s0;
	s0 =	simm.s32 @!p1 $0x0  }
0x14: {  	s2 =	sld [smem:$0x3F9D];
	s0 =	simm.s32 @p1 $0x1  }
0x15: {  	[smem:$0x3FBA] =	sst s0;
	s0 =	simm.s32 @!p2 $0x0  }
0x16: {  	s3 =	sld [smem:$0x3FDB];
	s0 =	simm.s32 @p2 $0x1  }
0x17: {  	s4 =	simm.s32 $0x1BF5;
	[smem:$0x3FBC] =	sst s0  }
0x18: {  	s0 =	sld [smem:$0x3F9F];
	_ =	swait.ge [sflag:s4], $0x0  }
0x19: {  	s7 =	sld [smem:$0x3FA0]  }
0x1a: {  	s8 =	sadd.s32 $0xFFFFE003, lr  }
0x1b: {  	s9 =	sadd.s32 $0xFFFFFEF7, lr;
	s5 =	simm.s32 $0xFFFFFFFF;
	p2 =	slt.u32 s8, $0xFFFFF086  }
0x1c: {  	p1 =	slt.u32 s9, $0xF7A;
	s5 =	simm.s32 @!p2 $0x0  }
0x1d: {  	s5 =	simm.s32 @p1 $0x1;
	p0 =	seq.s32 s7, s2  }
0x1e: {  	s7 =	smul.u32 @!p0 $0xF7A, s2;
	p2 =	seq.s32 @!p0 s5, $0x0  }
0x1f: {  	s9 =	smul.u32 $0xF7A, s1;
	s8 =	simm.s32 @!p0 $0x1BF5;
	p2 =	por !p2, p0  }
0x20: {  	[sflag:s8] =	ssyncset.s32 @!p0 $0xFFFFF086;
	s6 =	sadd.s32 @!p0 s3, s7;
	s7 =	simm.s32 @!p0 $0x108  }
0x21: {  	s3 =	sadd.s32 s3, s9;
	s6 =	sadd.s32 @!p0 $0x88, s6;
	s7 =	simm.s32 @p2 $0x1082  }
0x22: {  	[simem:s7], [sflag:s8] =	dma.local @!p0 [hbm:s6], $0xF7A  }
0x23: {  	s9 =	sor.u32 $0xD0000000, s2;
	s6 =	simm.s32 $0x108;
	_ =	swait.ge @!p0 [sflag:s8], $0x0  }
0x24: {  	s3 =	sadd.s32 $0x88, s3;
	s6 =	simm.s32 @!p1 $0x1082;
	[sflag:s4] =	ssyncset.s32 $0xFFFFF086  }
0x25: {  	[simem:s6], [sflag:s4] =	dma.local [hbm:s3], $0xF7A  }
0x26: {  	[smem:$0x3FA0] =	sst s1;
	(tag) =	ssettag s2;
	_ =	strace s9  }
0x27: {  	s1 =	sld [smem:$0x3FB0]  }
0x28: {  	s2 =	sld [smem:$0x3FB1]  }
0x29: {  	s4 =	sld [smem:$0x3FB3]  }
0x2a: {  	p0 =	seq.s32 s5, $0x0;
	s5 =	sld [smem:$0x3FB4]  }
0x2b: {  	s6 =	sld [smem:$0x3FB5]  }
0x2c: {  	s7 =	sld [smem:$0x3FB6]  }
0x2d: {  	s3 =	simm.s32 $0x108;
	s8 =	sld [smem:$0x3FB7]  }
0x2e: {  	s3 =	simm.s32 @!p0 $0x1082;
	s9 =	sld [smem:$0x3FB8]  }
0x2f: {  	lr =	sadd.s32 s0, s3;
	s0 =	sld [smem:$0x3FAF]  }
0x30: {  	s3 =	sld [smem:$0x3FB2]  }
0x31: {  	[smem:$0x3FBB] =	sst s10  }
0x32: {  	s10 =	sld [smem:$0x3FB9];
	_ =	sdelay $0x3  }
0x33: {  	p0 =	seq.s32 s10, $0x1;
	s10 =	sld [smem:$0x3FBB];
	_ =	sdelay $0x3  }
0x34: {  	[smem:$0x3FBB] =	sst s10  }
0x35: {  	s10 =	sld [smem:$0x3FBA];
	_ =	sdelay $0x3  }
0x36: {  	p1 =	seq.s32 s10, $0x1;
	s10 =	sld [smem:$0x3FBB];
	_ =	sdelay $0x3  }
0x37: {  	[smem:$0x3FBB] =	sst s10  }
0x38: {  	s10 =	sld [smem:$0x3FBC]  }
0x39: {  	_ = 	snop;
	(pc) =	sbr.ind lr, $3  }
0x3a: {  	_ = 	snop  }
0x3b: {  	_ = 	snop  }
0x3c: {  	p2 =	seq.s32 s10, $0x1;
	s10 =	sld [smem:$0x3FBB]  }
0x3d: {  	_ =	shalt  }
0x3e: {  	_ =	shalt  }
0x3f: {  	_ =	shalt  }
0x40: {  	_ =	shalt  }
0x41: {  	_ =	shalt  }
0x42: {  	_ =	shalt  }
0x43: {  	_ =	shalt  }
0x44: {  	_ =	shalt  }
0x45: {  	_ =	shalt  }
0x46: {  	_ =	shalt  }
0x47: {  	_ =	shalt  }
0x48: {  	_ =	shalt  }
0x49: {  	_ =	shalt  }
0x4a: {  	_ =	shalt  }
0x4b: {  	_ =	shalt  }
0x4c: {  	_ =	shalt  }
0x4d: {  	_ =	shalt  }
0x4e: {  	_ =	shalt  }
0x4f: {  	_ =	shalt  }
0x50: {  	_ =	shalt  }
0x51: {  	_ =	shalt  }
0x52: {  	_ =	shalt  }
0x53: {  	_ =	shalt  }
0x54: {  	_ =	shalt  }
0x55: {  	_ =	shalt  }
0x56: {  	_ =	shalt  }
0x57: {  	_ =	shalt  }
0x58: {  	_ =	shalt  }
0x59: {  	_ =	shalt  }
0x5a: {  	_ =	shalt  }
0x5b: {  	_ =	shalt  }
0x5c: {  	_ =	shalt  }
0x5d: {  	_ =	shalt  }
0x5e: {  	_ =	shalt  }
0x5f: {  	_ =	shalt  }
0x60: {  	_ =	shalt  }
0x61: {  	_ =	shalt  }
0x62: {  	_ =	shalt  }
0x63: {  	_ =	shalt  }
0x64: {  	_ =	shalt  }
0x65: {  	_ =	shalt  }
0x66: {  	_ =	shalt  }
0x67: {  	_ =	shalt  }
0x68: {  	_ =	shalt  }
0x69: {  	_ =	shalt  }
0x6a: {  	_ =	shalt  }
0x6b: {  	_ =	shalt  }
0x6c: {  	_ =	shalt  }
0x6d: {  	_ =	shalt  }
0x6e: {  	_ =	shalt  }
0x6f: {  	_ =	shalt  }
0x70: {  	_ =	shalt  }
0x71: {  	_ =	shalt  }
0x72: {  	_ =	shalt  }
0x73: {  	_ =	shalt  }
0x74: {  	_ =	shalt  }
0x75: {  	_ =	shalt  }
0x76: {  	_ =	shalt  }
0x77: {  	_ =	shalt  }
0x78: {  	_ =	shalt  }
0x79: {  	_ =	shalt  }
0x7a: {  	_ =	shalt  }
0x7b: {  	_ =	shalt  }
0x7c: {  	_ =	shalt  }
0x7d: {  	_ =	shalt  }
0x7e: {  	_ =	shalt  }
0x7f: {  	_ =	shalt  }
0x80: {  	_ =	shalt  }
0x81: {  	_ =	shalt  }
0x82: {  	_ =	shalt  }
0x83: {  	_ =	shalt  }
0x84: {  	_ =	shalt  }
0x85: {  	_ =	shalt  }
0x86: {  	_ =	shalt  }
0x87: {  	_ =	shalt  }
.Lfunc_end0:
.L_simem_size_0:
called_computation_lowered:
.L_overlay_start_0:
0x88: {  	s2 =	sld [smem:$0x3FD9]  }
0x89: {  	s3 =	sld [smem:$0x3FFE];
	_ =	sdelay $0x1  }
0x8a: {  	s1 =	srdreg.scid  }
0x8b: {  	s0 =	sand.u32 $0x1, s1  }
0x8c: {  	s18 =	sshll.u32 s0, $0xA;
	s2 =	sadd.s32 s3, s2  }
0x8d: {  	s2 =	sadd.s32 s2, s18  }
0x8e: {  	[smem:$0x3FC7] =	sst s2  }
0x8f: {  	_ = 	snop  }
0x90: {  	s2 =	sld [smem:$0x3FC9]  }
0x91: {  	s19 =	sld [smem:$0x3FD0];
	(tm) =	ssettm $0x1  }
0x92: {  	s4 =	sld [smem:$0x3FFB];
	_ =	sdelay $0x3  }
0x93: {  	_ =	strace s4  }
0x94: {  	s4 =	sld [smem:$0x3FFC];
	_ =	sdelay $0x3  }
0x95: {  	_ =	strace s4  }
0x96: {  	s4 =	sld [smem:$0x3FFD];
	_ =	sdelay $0x3  }
0x97: {  	_ =	strace s4  }
0x98: {  	_ =	strace $0x8FFFFFFF  }
0x99: {  	s20 =	sld [smem:$0x3FDB];
	_ =	sdelay $0x1  }
0x9a: {  	s5 =	simm.s32 $_scs_section_size  }
0x9b: {  	s6 =	simm.s32 $_size__tile_overlayer_lowered;
	s7 =	simm.s32 $_tile_overlayer_lowered  }
0x9c: {  	s23 =	simm.s32 $0x1BFF;
	s22 =	sshll.u32 s7, $0x1;
	s4 =	sadd.s32 s5, s20  }
0x9d: {  	s8 =	simm.s32 $0x0;
	s21 =	sshll.u32 s6, $0x1;
	s6 =	sadd.s32 s22, s4  }
0x9e: {  	[timem:s8], [sflag:s23] =	dma.local [hbm:s6], s21  }
0x9f: {  	_ =	swait.ge [sflag:s23], s21  }
0xa0: {  	s5 =	ssub.s32 $0x0, s21;
	[sflag:s23] =	ssyncset.done $0x0  }
0xa1: {  	[sflag:s23] =	ssyncadd.s32 s5;
	_ =	sdelay $0x1  }
0xa2: {  	s24 =	simm.s32 $0x1B8B  }
0xa3: {  	_ =	swait.ge [sflag:s24], $0x1  }
0xa4: {  	[sflag:s24] =	ssyncset.done $0x0  }
0xa5: {  	s25 =	simm.s32 $0x1B8E;
	[sflag:s24] =	ssyncadd.s32 $0xFFFFFFFF  }
0xa6: {  	s26 =	simm.s32 $execute0_lowered;
	[smem:$0x3FD2] =	sst s25  }
0xa7: {  	s5 =	sshll.u32 s26, $0x1;
	_ =	strace $0x80000046;
	[dreg:$0x1] =	wrdreg $0xFFFFFFFF  }
0xa8: {  	s28 =	simm.s32 $_size_execute0_lowered;
	s4 =	sadd.s32 s4, s5;
	[dreg:$0x0] =	wrdreg $0x0  }
0xa9: {  	s5 =	sshll.u32 s28, $0x1;
	[dreg:$0x2] =	wrdreg s4  }
0xaa: {  	[dreg:$0x3] =	wrdreg s5  }
0xab: {  	[dreg:$0x4] =	wrdreg $0xC0  }
0xac: {  	_ =	task [dreg:s8], $0x5FFFF  }
0xad: {  	[dreg:$0x1] =	wrdreg $0xFFFFFFFF  }
0xae: {  	[dreg:$0x0] =	wrdreg $0x60  }
0xaf: {  	[dreg:$0x2] =	wrdreg s2  }
0xb0: {  	[dreg:$0x3] =	wrdreg s19  }
0xb1: {  	[dreg:$0x4] =	wrdreg $0x9  }
0xb2: {  	_ =	task.clear_ibuf [dreg:s8], $0x5FFFF;
	_ =	strace $0x90000046  }
0xb3: {  	s29 =	simm.s32 $0x9;
	_ =	strace $0x80000048  }
0xb4: {  	_ =	swait.ge [sflag:s29], $0x1  }
0xb5: {  	[sflag:s29] =	ssyncadd.s32 $0xFFFFFFFF  }
0xb6: {  	_ =	strace $0x90000048  }
0xb7: {  	_ =	sfence  }
0xb8: {  	s30 =	sld [smem:$0x0];
	_ =	sdelay $0x2  }
0xb9: {  	s31 =	sshll.u32 s1, $0xD;
	s1 =	sshrl.u32 s1, $0x2  }
0xba: {  	s3 =	sand.u32 $0x4000, s31;
	s1 =	sadd.s32 s1, s30  }
0xbb: {  	s0 =	sor.u32 s3, s0;
	s1 =	sshll.u32 s1, $0x11  }
0xbc: {  	s0 =	sor.u32 s1, s0  }
0xbd: {  	s0 =	sadd.s32 $0x8F2B, s0  }
0xbe: {  	[sflag:s0] =	ssyncadd.remote.s32 $0x1  }
0xbf: {  	_ =	sfence.sel $0xFFFF  }
0xc0: {  	[dreg:$0x0] =	wrdreg $0xFFFFFFFF;
	(pc) =	sbr.abs _section_cstart, $3  }
0xc1: {  	[dreg:$0x1] =	wrdreg $0xFFFFFFFF  }
0xc2: {  	_ =	task.clear_ibuf [dreg:s8], $0x2FFFF;
	_ =	strace $0x9FFFFFFF  }
0xc3: {  	(tm) =	ssettm $0x7FFFFFFF  }
tec
execute0_lowered:
.L_overlay_start_1:
0x0: {  	(tag) =	ssettag $0x1  }
0x1: {  	s3 =	rddreg [dreg:$0x0];
	s1 =	srdreg.scid  }
0x2: {  	s0 =	stileid.u32;
	s7 =	rddreg [dreg:$0x1];
	s10 =	simm.s32 $0x40000  }
0x3: {  	s11 =	simm.s32 $0x1400;
	s12 =	simm.s32 $0x4000;
	s13 =	simm.s32 $0x9000  }
0x4: {  	s14 =	simm.s32 $0x2;
	s15 =	simm.s32 $0x9500;
	s16 =	simm.s32 $0x3  }
0x5: {  	s17 =	simm.s32 $0x0;
	s4 =	sand.u32 $0x1, s1;
	s2 =	sshll.u32 s0, $0x1  }
0x6: {  	s1 =	rddreg [dreg:$0x2];
	s8 =	sor.u32 s4, s2;
	s2 =	simm.s32 $0x0  }
0x7: {  	s4 =	ssub.s32 $0x2, s4;
	s5 =	sshll.u32 s8, $0xA;
	[smem:$0x7FF] =	sst s2  }
0x8: {  	s6 =	sshrl.u32 s4, $0x1;
	p0 =	seq.s32 s8, $0x0;
	s8 =	sshll.u32 s8, $0x7  }
0x9: {  	s5 =	smax.u32 s5, $0x80;
	_ =	strace $0x80000047;
	s9 =	ssub.s32 s4, s6  }
0xa: {  	s6 =	simm.s32 $0x1;
	s7 =	sadd.s32 s7, s8;
	s31 =	sadd.s32 s3, s5  }
0xb: {  	s5 =	simm.s32 $0x1;
	s6 =	simm.s32 @!p0 $0x81;
	s8 =	smax.u32 s9, $0x1  }
0xc: {  	v0 =	vimm.s32 $0x0;
	v1 =	vimm.s32 $0xFFFFFFFF;
	v2 =	vlaneseq.u32;
	s9 =	simm.s32 $0x1000;
	s3 =	sadd.s32 $0xFFFFFF80, s31;
	s4 =	sadd.s32 $0x180, s31  }
.LBB2_1:
0xd: {  	_ = 	snop  }
0xe: {  	[tilespmem:s2], [sflag:$0x1] =	stream.strided.gather [hbm4b:s3+s9], $0x4000, s10, s9, $0x38;
	[tilespmem:$0x9900] =	vst v63  }
0xf: {  	_ = 	snop  }
0x10: {  	[tilespmem:s12], [sflag:$0x2] =	stream.strided.gather [hbm4b:s4+s11], $0x5000, s10, s11, $0x38;
	[tilespmem:$0x9900] =	vst v63  }
0x11: {  	[tilespmem:v0+s13+$0x0] =	vst.idx.msk $0x1, v1  }
0x12: {  	s18 =	sand.u32 $0x70, s2;
	s19 =	sand.u32 $0xC00, s2;
	_ =	swait.ge [sflag:s5], $0x4000  }
0x13: {  	s21 =	simm.s32 $0x10;
	s20 =	simm.s32 $0x0;
	[sflag:s5] =	ssyncset.done $0x0  }
0x14: {  	s18 =	sor.u32 s18, s19;
	s19 =	simm.s32 $0x0;
	[sflag:s5] =	ssyncadd.s32 $0xFFFFC000  }
.LBB2_2:
0x15: {  	p0 =	sne.s32 s21, $0x1F0;
	v3 =	vld [tilespmem:s18+$0x80]  }
0x16: {  	v4 =	vld [tilespmem:s18+$0x0]  }
0x17: {  	v5 =	vld [tilespmem:s18+$0x100]  }
0x18: {  	v6 =	vld [tilespmem:s18+$0x180]  }
0x19: {  	v7 =	vld [tilespmem:s18+$0x200]  }
0x1a: {  	s22 =	sor.u32 s20, s19;
	s23 =	sadd.s32 $0x1, s19;
	s19 =	smov.u32 s21;
	v8 =	vld [tilespmem:s18+$0x280]  }
0x1b: {  	s22 =	sor.u32 $0x380, s22;
	vm0 =	vgt.f32 v3, v4;
	v4 =	vmax.f32 v4, v3;
	v9 =	vld [tilespmem:s18+$0x300];
	v3 =	vadd.s32 s23, v2  }
0x1c: {  	v10 =	vsel vm0, $0x1, v0;
	vm0 =	vgt.f32 v5, v4;
	v4 =	vmax.f32 v4, v5;
	v5 =	vld [tilespmem:s22+$0x0]  }
0x1d: {  	v10 =	vsel vm0, $0x2, v10;
	vm0 =	vgt.f32 v6, v4;
	v4 =	vmax.f32 v4, v6;
	v6 =	vld [tilespmem:s18+$0x1000]  }
0x1e: {  	v10 =	vsel vm0, $0x3, v10;
	vm0 =	vgt.f32 v7, v4;
	v4 =	vmax.f32 v4, v7;
	v7 =	vld [tilespmem:s18+$0x1080]  }
0x1f: {  	v10 =	vsel vm0, $0x4, v10;
	vm0 =	vgt.f32 v8, v4;
	v4 =	vmax.f32 v4, v8;
	v8 =	vld [tilespmem:s18+$0x1100]  }
0x20: {  	v10 =	vsel vm0, $0x5, v10;
	vm0 =	vgt.f32 v9, v4;
	v4 =	vmax.f32 v4, v9;
	v9 =	vld [tilespmem:s18+$0x1180]  }
0x21: {  	v10 =	vsel vm0, $0x6, v10;
	vm0 =	vgt.f32 v5, v4;
	v4 =	vmax.f32 v4, v5;
	v5 =	vld [tilespmem:s18+$0x1200]  }
0x22: {  	v10 =	vsel vm0, $0x7, v10;
	vm0 =	vgt.f32 v6, v4;
	v4 =	vmax.f32 v4, v6;
	v6 =	vld [tilespmem:s18+$0x1280]  }
0x23: {  	v10 =	vsel vm0, $0x8, v10;
	vm0 =	vgt.f32 v7, v4;
	v4 =	vmax.f32 v4, v7;
	v7 =	vld [tilespmem:s18+$0x1300]  }
0x24: {  	v10 =	vsel vm0, $0x9, v10;
	vm0 =	vgt.f32 v8, v4;
	v4 =	vmax.f32 v4, v8;
	v8 =	vld [tilespmem:s18+$0x1380]  }
0x25: {  	v10 =	vsel vm0, $0xA, v10;
	vm0 =	vgt.f32 v9, v4;
	v4 =	vmax.f32 v4, v9;
	v9 =	vld [tilespmem:s18+$0x2000]  }
0x26: {  	v10 =	vsel vm0, $0xB, v10;
	vm0 =	vgt.f32 v5, v4;
	v4 =	vmax.f32 v4, v5;
	v5 =	vld [tilespmem:s18+$0x2080]  }
0x27: {  	v10 =	vsel vm0, $0xC, v10;
	vm0 =	vgt.f32 v6, v4;
	v4 =	vmax.f32 v4, v6;
	v6 =	vld [tilespmem:s18+$0x2100]  }
0x28: {  	v10 =	vsel vm0, $0xD, v10;
	vm0 =	vgt.f32 v7, v4;
	v4 =	vmax.f32 v4, v7;
	v7 =	vld [tilespmem:s18+$0x2180]  }
0x29: {  	v10 =	vsel vm0, $0xE, v10;
	vm0 =	vgt.f32 v8, v4;
	v4 =	vmax.f32 v4, v8;
	v8 =	vld [tilespmem:s18+$0x2200]  }
0x2a: {  	v10 =	vsel vm0, $0xF, v10;
	vm0 =	vgt.f32 v9, v4;
	v4 =	vmax.f32 v4, v9;
	v9 =	vld [tilespmem:s18+$0x2280]  }
0x2b: {  	v10 =	vsel vm0, $0x10, v10;
	vm0 =	vgt.f32 v5, v4;
	v4 =	vmax.f32 v4, v5;
	v5 =	vld [tilespmem:s18+$0x2300]  }
0x2c: {  	v10 =	vsel vm0, $0x11, v10;
	vm0 =	vgt.f32 v6, v4;
	v4 =	vmax.f32 v4, v6;
	v6 =	vld [tilespmem:s18+$0x2380]  }
0x2d: {  	v10 =	vsel vm0, $0x12, v10;
	vm0 =	vgt.f32 v7, v4;
	v4 =	vmax.f32 v4, v7;
	v7 =	vld [tilespmem:s18+$0x3000]  }
0x2e: {  	v10 =	vsel vm0, $0x13, v10;
	vm0 =	vgt.f32 v8, v4;
	v4 =	vmax.f32 v4, v8;
	v8 =	vld [tilespmem:s18+$0x3080]  }
0x2f: {  	v10 =	vsel vm0, $0x14, v10;
	vm0 =	vgt.f32 v9, v4;
	v4 =	vmax.f32 v4, v9;
	v9 =	vld [tilespmem:s18+$0x3100]  }
0x30: {  	v10 =	vsel vm0, $0x15, v10;
	vm0 =	vgt.f32 v5, v4;
	v4 =	vmax.f32 v4, v5;
	v5 =	vld [tilespmem:s18+$0x3180]  }
0x31: {  	v10 =	vsel vm0, $0x16, v10;
	vm0 =	vgt.f32 v6, v4;
	v4 =	vmax.f32 v4, v6;
	v6 =	vld [tilespmem:s18+$0x3200]  }
0x32: {  	v10 =	vsel vm0, $0x17, v10;
	vm0 =	vgt.f32 v7, v4;
	v4 =	vmax.f32 v4, v7;
	v7 =	vld [tilespmem:s18+$0x3280]  }
0x33: {  	v10 =	vsel vm0, $0x18, v10;
	vm0 =	vgt.f32 v8, v4;
	v4 =	vmax.f32 v4, v8;
	v8 =	vld [tilespmem:s18+$0x3300]  }
0x34: {  	v10 =	vsel vm0, $0x19, v10;
	vm0 =	vgt.f32 v9, v4;
	v4 =	vmax.f32 v4, v9;
	v9 =	vld [tilespmem:s18+$0x3380]  }
0x35: {  	v10 =	vsel vm0, $0x1A, v10;
	vm0 =	vgt.f32 v5, v4;
	v4 =	vmax.f32 v4, v5  }
0x36: {  	v5 =	vsel vm0, $0x1B, v10;
	vm0 =	vgt.f32 v6, v4;
	v4 =	vmax.f32 v4, v6  }
.Ltmp0:
0x37: {  	v5 =	vsel vm0, $0x1C, v5;
	vm0 =	vgt.f32 v7, v4;
	v4 =	vmax.f32 v4, v7;
	(pc) =	sbr.rel @p0 .LBB2_2-.Ltmp0, $4  }
0x38: {  	v5 =	vsel vm0, $0x1D, v5;
	vm0 =	vgt.f32 v8, v4;
	v4 =	vmax.f32 v4, v8  }
0x39: {  	s20 =	sadd.s32 $0x80, s20;
	v5 =	vsel vm0, $0x1E, v5;
	vm0 =	vgt.f32 v9, v4  }
0x3a: {  	s22 =	sand.u32 $0xC00, s20;
	s18 =	sand.u32 $0x70, s21;
	v4 =	vsel vm0, $0x1F, v5  }
0x3b: {  	s21 =	sadd.s32 $0x10, s21;
	s18 =	sor.u32 s18, s22;
	[tilespmem:v3+s13+$0x0] =	vst.idx.msk $0xffff, v4  }
0x3c: {  	v3 =	vld [tilespmem:s18+$0x80]  }
0x3d: {  	v4 =	vld [tilespmem:s18+$0x0]  }
0x3e: {  	v5 =	vld [tilespmem:s18+$0x100]  }
0x3f: {  	v6 =	vld [tilespmem:s18+$0x180]  }
0x40: {  	v7 =	vld [tilespmem:s18+$0x200]  }
0x41: {  	v8 =	vld [tilespmem:s18+$0x280];
	s20 =	sor.u32 s20, s19;
	s29 =	sadd.s32 $0x1, s19  }
0x42: {  	v37 =	vld [tilespmem:s18+$0x300];
	s20 =	sor.u32 $0x380, s20;
	v9 =	vadd.s32 s29, v2;
	vm0 =	vgt.f32 v3, v4;
	v3 =	vmax.f32 v4, v3  }
0x43: {  	v38 =	vld [tilespmem:s20+$0x0];
	v10 =	vsel vm0, $0x1, v0;
	vm10 =	vgt.f32 v5, v3;
	v3 =	vmax.f32 v3, v5  }
0x44: {  	v39 =	vld [tilespmem:s18+$0x1000];
	v10 =	vsel vm10, $0x2, v10;
	vm11 =	vgt.f32 v6, v3;
	v3 =	vmax.f32 v3, v6  }
0x45: {  	v40 =	vld [tilespmem:s18+$0x1080];
	v10 =	vsel vm11, $0x3, v10;
	vm12 =	vgt.f32 v7, v3;
	v3 =	vmax.f32 v3, v7  }
0x46: {  	v41 =	vld [tilespmem:s18+$0x1100];
	v10 =	vsel vm12, $0x4, v10;
	vm13 =	vgt.f32 v8, v3;
	v3 =	vmax.f32 v3, v8  }
0x47: {  	v42 =	vld [tilespmem:s18+$0x1180];
	v10 =	vsel vm13, $0x5, v10;
	vm14 =	vgt.f32 v37, v3;
	v3 =	vmax.f32 v3, v37  }
0x48: {  	v43 =	vld [tilespmem:s18+$0x1200];
	v10 =	vsel vm14, $0x6, v10;
	vm15 =	vgt.f32 v38, v3;
	v3 =	vmax.f32 v3, v38  }
0x49: {  	v44 =	vld [tilespmem:s18+$0x1280];
	v10 =	vsel vm15, $0x7, v10;
	vm4 =	vgt.f32 v39, v3;
	v3 =	vmax.f32 v3, v39  }
0x4a: {  	v45 =	vld [tilespmem:s18+$0x1300];
	v10 =	vsel vm4, $0x8, v10;
	vm5 =	vgt.f32 v40, v3;
	v3 =	vmax.f32 v3, v40  }
0x4b: {  	v46 =	vld [tilespmem:s18+$0x1380];
	v10 =	vsel vm5, $0x9, v10;
	vm6 =	vgt.f32 v41, v3;
	v3 =	vmax.f32 v3, v41  }
0x4c: {  	v47 =	vld [tilespmem:s18+$0x2000];
	v10 =	vsel vm6, $0xA, v10;
	vm7 =	vgt.f32 v42, v3;
	v3 =	vmax.f32 v3, v42  }
0x4d: {  	v48 =	vld [tilespmem:s18+$0x2080];
	v10 =	vsel vm7, $0xB, v10;
	vm8 =	vgt.f32 v43, v3;
	v3 =	vmax.f32 v3, v43  }
0x4e: {  	v49 =	vld [tilespmem:s18+$0x2100];
	v10 =	vsel vm8, $0xC, v10;
	vm9 =	vgt.f32 v44, v3;
	v3 =	vmax.f32 v3, v44  }
0x4f: {  	v50 =	vld [tilespmem:s18+$0x2180];
	v10 =	vsel vm9, $0xD, v10;
	vm10 =	vgt.f32 v45, v3;
	v3 =	vmax.f32 v3, v45  }
0x50: {  	v51 =	vld [tilespmem:s18+$0x2200];
	v10 =	vsel vm10, $0xE, v10;
	vm11 =	vgt.f32 v46, v3;
	v3 =	vmax.f32 v3, v46  }
0x51: {  	v52 =	vld [tilespmem:s18+$0x2280];
	v10 =	vsel vm11, $0xF, v10;
	vm12 =	vgt.f32 v47, v3;
	v3 =	vmax.f32 v3, v47  }
0x52: {  	v53 =	vld [tilespmem:s18+$0x2300];
	v10 =	vsel vm12, $0x10, v10;
	vm13 =	vgt.f32 v48, v3;
	v3 =	vmax.f32 v3, v48  }
0x53: {  	v54 =	vld [tilespmem:s18+$0x2380];
	v10 =	vsel vm13, $0x11, v10;
	vm14 =	vgt.f32 v49, v3;
	v3 =	vmax.f32 v3, v49  }
0x54: {  	v55 =	vld [tilespmem:s18+$0x3000];
	v10 =	vsel vm14, $0x12, v10;
	vm15 =	vgt.f32 v50, v3;
	v3 =	vmax.f32 v3, v50  }
0x55: {  	v56 =	vld [tilespmem:s18+$0x3080];
	v10 =	vsel vm15, $0x13, v10;
	vm4 =	vgt.f32 v51, v3;
	v3 =	vmax.f32 v3, v51  }
0x56: {  	v57 =	vld [tilespmem:s18+$0x3100];
	v10 =	vsel vm4, $0x14, v10;
	vm5 =	vgt.f32 v52, v3;
	v3 =	vmax.f32 v3, v52  }
0x57: {  	v58 =	vld [tilespmem:s18+$0x3180];
	v10 =	vsel vm5, $0x15, v10;
	vm6 =	vgt.f32 v53, v3;
	v3 =	vmax.f32 v3, v53  }
0x58: {  	v59 =	vld [tilespmem:s18+$0x3200];
	v10 =	vsel vm6, $0x16, v10;
	vm7 =	vgt.f32 v54, v3;
	v3 =	vmax.f32 v3, v54  }
0x59: {  	v60 =	vld [tilespmem:s18+$0x3280];
	v10 =	vsel vm7, $0x17, v10;
	vm8 =	vgt.f32 v55, v3;
	v3 =	vmax.f32 v3, v55  }
0x5a: {  	v61 =	vld [tilespmem:s18+$0x3300];
	v10 =	vsel vm8, $0x18, v10;
	vm9 =	vgt.f32 v56, v3;
	v3 =	vmax.f32 v3, v56  }
0x5b: {  	v62 =	vld [tilespmem:s18+$0x3380];
	v10 =	vsel vm9, $0x19, v10;
	vm10 =	vgt.f32 v57, v3;
	v3 =	vmax.f32 v3, v57  }
0x5c: {  	v10 =	vsel vm10, $0x1A, v10;
	vm11 =	vgt.f32 v58, v3;
	v3 =	vmax.f32 v3, v58  }
0x5d: {  	v63 =	vsel vm11, $0x1B, v10;
	vm12 =	vgt.f32 v59, v3;
	v3 =	vmax.f32 v3, v59  }
0x5e: {  	v5 =	vsel vm12, $0x1C, v63;
	vm13 =	vgt.f32 v60, v3;
	v3 =	vmax.f32 v3, v60  }
0x5f: {  	v5 =	vsel vm13, $0x1D, v5;
	vm14 =	vgt.f32 v61, v3;
	v3 =	vmax.f32 v3, v61  }
0x60: {  	v5 =	vsel vm14, $0x1E, v5;
	vm15 =	vgt.f32 v62, v3  }
0x61: {  	v3 =	vsel vm15, $0x1F, v5  }
0x62: {  	s18 =	simm.s32 $0x0;
	[tilespmem:v9+s13+$0x0] =	vst.idx.msk $0xffff, v3  }
0x63: {  	s22 =	simm.s32 $0x10;
	s19 =	simm.s32 $0x0;
	_ =	swait.ge [sflag:s14], $0x5000  }
0x64: {  	s30 =	sand.u32 $0x70, s18;
	s31 =	sand.u32 $0x1C00, s18;
	[sflag:s14] =	ssyncset.done $0x0  }
0x65: {  	s21 =	simm.s32 $0x0;
	s20 =	sor.u32 s30, s31;
	[sflag:s14] =	ssyncadd.s32 $0xFFFFB000  }
.LBB2_4:
0x66: {  	p0 =	sne.s32 s22, $0x270;
	v3 =	vld [tilespmem:s20+$0x4080]  }
0x67: {  	v4 =	vld [tilespmem:s20+$0x4000]  }
0x68: {  	v5 =	vld [tilespmem:s20+$0x4100]  }
0x69: {  	v6 =	vld [tilespmem:s20+$0x4180]  }
0x6a: {  	v7 =	vld [tilespmem:s20+$0x4200]  }
0x6b: {  	s23 =	sor.u32 s21, s19;
	s24 =	sadd.s32 $0x201, s19;
	s19 =	smov.u32 s22;
	v8 =	vld [tilespmem:s20+$0x4280]  }
0x6c: {  	s23 =	sor.u32 $0x380, s23;
	vm0 =	vgt.f32 v3, v4;
	v4 =	vmax.f32 v4, v3;
	v9 =	vld [tilespmem:s20+$0x4300];
	v3 =	vadd.s32 s24, v2  }
0x6d: {  	v10 =	vsel vm0, $0x1, v0;
	vm0 =	vgt.f32 v5, v4;
	v4 =	vmax.f32 v4, v5;
	v5 =	vld [tilespmem:s23+$0x4000]  }
0x6e: {  	v10 =	vsel vm0, $0x2, v10;
	vm0 =	vgt.f32 v6, v4;
	v4 =	vmax.f32 v4, v6;
	v6 =	vld [tilespmem:s20+$0x5400]  }
0x6f: {  	v10 =	vsel vm0, $0x3, v10;
	vm0 =	vgt.f32 v7, v4;
	v4 =	vmax.f32 v4, v7;
	v7 =	vld [tilespmem:s20+$0x5480]  }
0x70: {  	v10 =	vsel vm0, $0x4, v10;
	vm0 =	vgt.f32 v8, v4;
	v4 =	vmax.f32 v4, v8;
	v8 =	vld [tilespmem:s20+$0x5500]  }
0x71: {  	v10 =	vsel vm0, $0x5, v10;
	vm0 =	vgt.f32 v9, v4;
	v4 =	vmax.f32 v4, v9;
	v9 =	vld [tilespmem:s20+$0x5580]  }
0x72: {  	v10 =	vsel vm0, $0x6, v10;
	vm0 =	vgt.f32 v5, v4;
	v4 =	vmax.f32 v4, v5;
	v5 =	vld [tilespmem:s20+$0x5600]  }
0x73: {  	v10 =	vsel vm0, $0x7, v10;
	vm0 =	vgt.f32 v6, v4;
	v4 =	vmax.f32 v4, v6;
	v6 =	vld [tilespmem:s20+$0x5680]  }
0x74: {  	v10 =	vsel vm0, $0x8, v10;
	vm0 =	vgt.f32 v7, v4;
	v4 =	vmax.f32 v4, v7;
	v7 =	vld [tilespmem:s20+$0x5700]  }
0x75: {  	v10 =	vsel vm0, $0x9, v10;
	vm0 =	vgt.f32 v8, v4;
	v4 =	vmax.f32 v4, v8;
	v8 =	vld [tilespmem:s20+$0x5780]  }
0x76: {  	v10 =	vsel vm0, $0xA, v10;
	vm0 =	vgt.f32 v9, v4;
	v4 =	vmax.f32 v4, v9;
	v9 =	vld [tilespmem:s20+$0x6800]  }
0x77: {  	v10 =	vsel vm0, $0xB, v10;
	vm0 =	vgt.f32 v5, v4;
	v4 =	vmax.f32 v4, v5;
	v5 =	vld [tilespmem:s20+$0x6880]  }
0x78: {  	v10 =	vsel vm0, $0xC, v10;
	vm0 =	vgt.f32 v6, v4;
	v4 =	vmax.f32 v4, v6;
	v6 =	vld [tilespmem:s20+$0x6900]  }
0x79: {  	v10 =	vsel vm0, $0xD, v10;
	vm0 =	vgt.f32 v7, v4;
	v4 =	vmax.f32 v4, v7;
	v7 =	vld [tilespmem:s20+$0x6980]  }
0x7a: {  	v10 =	vsel vm0, $0xE, v10;
	vm0 =	vgt.f32 v8, v4;
	v4 =	vmax.f32 v4, v8;
	v8 =	vld [tilespmem:s20+$0x6A00]  }
0x7b: {  	v10 =	vsel vm0, $0xF, v10;
	vm0 =	vgt.f32 v9, v4;
	v4 =	vmax.f32 v4, v9;
	v9 =	vld [tilespmem:s20+$0x6A80]  }
0x7c: {  	v10 =	vsel vm0, $0x10, v10;
	vm0 =	vgt.f32 v5, v4;
	v4 =	vmax.f32 v4, v5;
	v5 =	vld [tilespmem:s20+$0x6B00]  }
0x7d: {  	v10 =	vsel vm0, $0x11, v10;
	vm0 =	vgt.f32 v6, v4;
	v4 =	vmax.f32 v4, v6;
	v6 =	vld [tilespmem:s20+$0x6B80]  }
0x7e: {  	v10 =	vsel vm0, $0x12, v10;
	vm0 =	vgt.f32 v7, v4;
	v4 =	vmax.f32 v4, v7;
	v7 =	vld [tilespmem:s20+$0x7C00]  }
0x7f: {  	v10 =	vsel vm0, $0x13, v10;
	vm0 =	vgt.f32 v8, v4;
	v4 =	vmax.f32 v4, v8;
	v8 =	vld [tilespmem:s20+$0x7C80]  }
0x80: {  	v10 =	vsel vm0, $0x14, v10;
	vm0 =	vgt.f32 v9, v4;
	v4 =	vmax.f32 v4, v9;
	v9 =	vld [tilespmem:s20+$0x7D00]  }
0x81: {  	v10 =	vsel vm0, $0x15, v10;
	vm0 =	vgt.f32 v5, v4;
	v4 =	vmax.f32 v4, v5;
	v5 =	vld [tilespmem:s20+$0x7D80]  }
0x82: {  	v10 =	vsel vm0, $0x16, v10;
	vm0 =	vgt.f32 v6, v4;
	v4 =	vmax.f32 v4, v6;
	v6 =	vld [tilespmem:s20+$0x7E00]  }
0x83: {  	v10 =	vsel vm0, $0x17, v10;
	vm0 =	vgt.f32 v7, v4;
	v4 =	vmax.f32 v4, v7;
	v7 =	vld [tilespmem:s20+$0x7E80]  }
0x84: {  	v10 =	vsel vm0, $0x18, v10;
	vm0 =	vgt.f32 v8, v4;
	v4 =	vmax.f32 v4, v8;
	v8 =	vld [tilespmem:s20+$0x7F00]  }
0x85: {  	v10 =	vsel vm0, $0x19, v10;
	vm0 =	vgt.f32 v9, v4;
	v4 =	vmax.f32 v4, v9;
	v9 =	vld [tilespmem:s20+$0x7F80]  }
0x86: {  	v10 =	vsel vm0, $0x1A, v10;
	vm0 =	vgt.f32 v5, v4;
	v4 =	vmax.f32 v4, v5  }
0x87: {  	v5 =	vsel vm0, $0x1B, v10;
	vm0 =	vgt.f32 v6, v4;
	v4 =	vmax.f32 v4, v6  }
.Ltmp1:
0x88: {  	v5 =	vsel vm0, $0x1C, v5;
	vm0 =	vgt.f32 v7, v4;
	v4 =	vmax.f32 v4, v7;
	(pc) =	sbr.rel @p0 .LBB2_4-.Ltmp1, $4  }
0x89: {  	v5 =	vsel vm0, $0x1D, v5;
	vm0 =	vgt.f32 v8, v4;
	v4 =	vmax.f32 v4, v8  }
0x8a: {  	s21 =	sadd.s32 $0x80, s21;
	v5 =	vsel vm0, $0x1E, v5;
	vm0 =	vgt.f32 v9, v4  }
0x8b: {  	s23 =	sand.u32 $0x1C00, s21;
	s20 =	sand.u32 $0x70, s22;
	v4 =	vsel vm0, $0x1F, v5  }
0x8c: {  	s22 =	sadd.s32 $0x10, s22;
	s20 =	sor.u32 s20, s23;
	[tilespmem:v3+s13+$0x0] =	vst.idx.msk $0xffff, v4  }
0x8d: {  	v3 =	vld [tilespmem:s20+$0x4080]  }
0x8e: {  	v4 =	vld [tilespmem:s20+$0x4000]  }
0x8f: {  	v5 =	vld [tilespmem:s20+$0x4100]  }
0x90: {  	v6 =	vld [tilespmem:s20+$0x4180]  }
0x91: {  	v7 =	vld [tilespmem:s20+$0x4200]  }
0x92: {  	v8 =	vld [tilespmem:s20+$0x4280];
	s21 =	sor.u32 s21, s19  }
0x93: {  	s21 =	sor.u32 $0x380, s21;
	vm0 =	vgt.f32 v3, v4;
	v3 =	vmax.f32 v4, v3;
	v4 =	vld [tilespmem:s20+$0x4300]  }
0x94: {  	v9 =	vsel vm0, $0x1, v0;
	vm10 =	vgt.f32 v5, v3;
	v3 =	vmax.f32 v3, v5;
	v5 =	vld [tilespmem:s21+$0x4000]  }
0x95: {  	v9 =	vsel vm10, $0x2, v9;
	vm11 =	vgt.f32 v6, v3;
	v3 =	vmax.f32 v3, v6;
	v6 =	vld [tilespmem:s20+$0x5400]  }
0x96: {  	v9 =	vsel vm11, $0x3, v9;
	vm12 =	vgt.f32 v7, v3;
	v3 =	vmax.f32 v3, v7;
	v7 =	vld [tilespmem:s20+$0x5480]  }
0x97: {  	v58 =	vld [tilespmem:s20+$0x5500];
	v9 =	vsel vm12, $0x4, v9;
	vm13 =	vgt.f32 v8, v3;
	v3 =	vmax.f32 v3, v8  }
0x98: {  	v9 =	vsel vm13, $0x5, v9;
	vm14 =	vgt.f32 v4, v3;
	v3 =	vmax.f32 v3, v4;
	v4 =	vld [tilespmem:s20+$0x5580]  }
0x99: {  	v9 =	vsel vm14, $0x6, v9;
	vm15 =	vgt.f32 v5, v3;
	v3 =	vmax.f32 v3, v5;
	v5 =	vld [tilespmem:s20+$0x5600]  }
0x9a: {  	v9 =	vsel vm15, $0x7, v9;
	vm4 =	vgt.f32 v6, v3;
	v3 =	vmax.f32 v3, v6;
	v6 =	vld [tilespmem:s20+$0x5680]  }
0x9b: {  	v9 =	vsel vm4, $0x8, v9;
	vm5 =	vgt.f32 v7, v3;
	v3 =	vmax.f32 v3, v7;
	v7 =	vld [tilespmem:s20+$0x5700]  }
0x9c: {  	v59 =	vld [tilespmem:s20+$0x5780];
	v9 =	vsel vm5, $0x9, v9;
	vm6 =	vgt.f32 v58, v3;
	v3 =	vmax.f32 v3, v58  }
0x9d: {  	v9 =	vsel vm6, $0xA, v9;
	vm7 =	vgt.f32 v4, v3;
	v3 =	vmax.f32 v3, v4;
	v4 =	vld [tilespmem:s20+$0x6800]  }
0x9e: {  	v9 =	vsel vm7, $0xB, v9;
	vm8 =	vgt.f32 v5, v3;
	v3 =	vmax.f32 v3, v5;
	v5 =	vld [tilespmem:s20+$0x6880]  }
0x9f: {  	v9 =	vsel vm8, $0xC, v9;
	vm9 =	vgt.f32 v6, v3;
	v3 =	vmax.f32 v3, v6;
	v6 =	vld [tilespmem:s20+$0x6900]  }
0xa0: {  	v9 =	vsel vm9, $0xD, v9;
	vm10 =	vgt.f32 v7, v3;
	v3 =	vmax.f32 v3, v7;
	v7 =	vld [tilespmem:s20+$0x6980]  }
0xa1: {  	v60 =	vld [tilespmem:s20+$0x6A00];
	v9 =	vsel vm10, $0xE, v9;
	vm11 =	vgt.f32 v59, v3;
	v3 =	vmax.f32 v3, v59  }
0xa2: {  	v9 =	vsel vm11, $0xF, v9;
	vm12 =	vgt.f32 v4, v3;
	v3 =	vmax.f32 v3, v4;
	v4 =	vld [tilespmem:s20+$0x6A80]  }
0xa3: {  	v9 =	vsel vm12, $0x10, v9;
	vm13 =	vgt.f32 v5, v3;
	v3 =	vmax.f32 v3, v5;
	v5 =	vld [tilespmem:s20+$0x6B00]  }
0xa4: {  	v9 =	vsel vm13, $0x11, v9;
	vm14 =	vgt.f32 v6, v3;
	v3 =	vmax.f32 v3, v6;
	v6 =	vld [tilespmem:s20+$0x6B80]  }
0xa5: {  	v9 =	vsel vm14, $0x12, v9;
	vm15 =	vgt.f32 v7, v3;
	v3 =	vmax.f32 v3, v7;
	v7 =	vld [tilespmem:s20+$0x7C00]  }
0xa6: {  	v61 =	vld [tilespmem:s20+$0x7C80];
	v9 =	vsel vm15, $0x13, v9;
	vm4 =	vgt.f32 v60, v3;
	v3 =	vmax.f32 v3, v60  }
0xa7: {  	v9 =	vsel vm4, $0x14, v9;
	vm5 =	vgt.f32 v4, v3;
	v3 =	vmax.f32 v3, v4;
	v4 =	vld [tilespmem:s20+$0x7D00]  }
0xa8: {  	v9 =	vsel vm5, $0x15, v9;
	vm6 =	vgt.f32 v5, v3;
	v3 =	vmax.f32 v3, v5;
	v5 =	vld [tilespmem:s20+$0x7D80]  }
0xa9: {  	v9 =	vsel vm6, $0x16, v9;
	vm7 =	vgt.f32 v6, v3;
	v3 =	vmax.f32 v3, v6;
	v6 =	vld [tilespmem:s20+$0x7E00]  }
0xaa: {  	v9 =	vsel vm7, $0x17, v9;
	vm8 =	vgt.f32 v7, v3;
	v3 =	vmax.f32 v3, v7  }
0xab: {  	v7 =	vld [tilespmem:s20+$0x7E80];
	v9 =	vsel vm8, $0x18, v9;
	vm9 =	vgt.f32 v61, v3;
	v3 =	vmax.f32 v3, v61  }
0xac: {  	v62 =	vld [tilespmem:s20+$0x7F00];
	v9 =	vsel vm9, $0x19, v9;
	vm10 =	vgt.f32 v4, v3;
	v3 =	vmax.f32 v3, v4  }
0xad: {  	v4 =	vld [tilespmem:s20+$0x7F80];
	v9 =	vsel vm10, $0x1A, v9;
	vm11 =	vgt.f32 v5, v3;
	v3 =	vmax.f32 v3, v5  }
0xae: {  	s29 =	sadd.s32 $0x201, s19;
	v63 =	vadd.s32 s6, v2;
	v5 =	vsel vm11, $0x1B, v9;
	vm12 =	vgt.f32 v6, v3  }
0xaf: {  	s30 =	sadd.s32 $0xFFFFFFFF, s6;
	v3 =	vmax.f32 v3, v6;
	v6 =	vadd.s32 s29, v2;
	v5 =	vsel vm12, $0x1C, v5  }
0xb0: {  	vm13 =	vgt.f32 v7, v3;
	v3 =	vmax.f32 v3, v7;
	v7 =	vor.u32 s30, v2  }
0xb1: {  	v5 =	vsel vm13, $0x1D, v5;
	vm14 =	vgt.f32 v62, v3;
	v3 =	vmax.f32 v3, v62  }
0xb2: {  	v5 =	vsel vm14, $0x1E, v5;
	vm15 =	vgt.f32 v4, v3  }
0xb3: {  	v3 =	vsel vm15, $0x1F, v5  }
0xb4: {  	[tilespmem:v6+s13+$0x0] =	vst.idx.msk $0xffff, v3  }
0xb5: {  	v5 =	vld.idx.msk [tilespmem:v7+s13+$0x0], $0xffff  }
0xb6: {  	v4 =	vld.idx.msk [tilespmem:v63+s13+$0x0], $0xffff;
	_ =	sdelay $0x1  }
0xb7: {  	s20 =	sadd.s32 $0x10, s6  }
0xb8: {  	s31 =	sadd.s32 $0xFFFFFFFF, s20  }
0xb9: {  	s19 =	simm.s32 $0x40;
	s21 =	simm.s32 $0x80;
	v3 =	vor.u32 s31, v2  }
.LBB2_6:
0xba: {  	p0 =	sne.s32 s21, $0xFC0;
	v6 =	vadd.s32 s20, v2;
	vm0 =	vne.s32 v4, v5;
	vm1 =	vne.s32 v4, $0x0  }
0xbb: {  	vm0 =	vmand vm1, vm0  }
0xbc: {  	s22 =	sshra.s32 s18, $0x2;
	s18 =	smov.u32 s19;
	s19 =	smov.u32 s21;
	v4 =	vnsel vm0, $0xFFFFFFFF, v4  }
0xbd: {  	[tilespmem:s22+$0x9500] =	vst v4  }
0xbe: {  	v5 =	vld.idx.msk [tilespmem:v3+s13+$0x0], $0xffff  }
0xbf: {  	v4 =	vld.idx.msk [tilespmem:v6+s13+$0x0], $0xffff  }
.Ltmp2:
0xc0: {  	(pc) =	sbr.rel @p0 .LBB2_6-.Ltmp2, $4  }
0xc1: {  	_ = 	snop  }
0xc2: {  	s20 =	sadd.s32 $0x10, s20  }
0xc3: {  	s22 =	sadd.s32 $0xFFFFFFFF, s20  }
0xc4: {  	s21 =	sadd.s32 $0x40, s21;
	v3 =	vor.u32 s22, v2  }
0xc5: {  	v6 =	vadd.s32 s20, v2;
	vm0 =	vne.s32 v4, v5;
	vm1 =	vne.s32 v4, $0x0  }
0xc6: {  	vm0 =	vmand vm1, vm0  }
0xc7: {  	s18 =	sshra.s32 s18, $0x2;
	v63 =	vnsel vm0, $0xFFFFFFFF, v4  }
0xc8: {  	[tilespmem:s18+$0x9500] =	vst v63  }
0xc9: {  	v3 =	vld.idx.msk [tilespmem:v3+s13+$0x0], $0xffff  }
0xca: {  	v4 =	vld.idx.msk [tilespmem:v6+s13+$0x0], $0xffff;
	_ =	sdelay $0x4  }
0xcb: {  	vm14 =	vne.s32 v4, v3;
	vm15 =	vne.s32 v4, $0x0  }
0xcc: {  	s17 =	sadd.s32 $0x1, s17;
	vm0 =	vmand vm15, vm14  }
0xcd: {  	s31 =	sshra.s32 s19, $0x2;
	p0 =	sne.s32 s17, s8;
	v3 =	vnsel vm0, $0xFFFFFFFF, v4  }
.Ltmp3:
0xce: {  	[tilespmem:s31+$0x9500] =	vst v3;
	(pc) =	sbr.rel @p0 .LBB2_1-.Ltmp3, $4  }
0xcf: {  	[hbm4b:s7+s2] =	stream.linear.scatter [tilespmem:s15], [sflag:$0x3], $0x400, $0x38;
	[tilespmem:$0x9900] =	vst v63  }
0xd0: {  	_ =	swait.ge [sflag:s16], $0x400  }
0xd1: {  	[sflag:s16] =	ssyncset.done $0x0  }
0xd2: {  	[sflag:s16] =	ssyncadd.s32 $0xFFFFFC00  }
0xd3: {  	_ =	sfence.sel $0x180000  }
0xd4: {  	[bflag:$0x0] =	sbarrier.arrive $0xFFFF  }
0xd5: {  	p0 =	sne.s32 s0, $0x0;
	_ =	strace $0x90000047  }
0xd6: {  	s0 =	sadd.s32 @!p0 $0x100000, s1;
	[bflag:$0x2] =	sbarrier.arrive $0xFFFF  }
0xd7: {  	[sflag:s0] =	ssyncadd.tile.s32 @!p0 $0x1;
	_ =	shalt  }
.Lfunc_end2:
_tile_overlayer_lowered:
.L_overlay_start_2:
0xd8: {  	(tag) =	ssettag $0x2  }
0xd9: {  	s0 =	rddreg [dreg:$0x0];
	s2 =	stileid.u32  }
0xda: {  	s1 =	rddreg [dreg:$0x1];
	p0 =	sne.s32 s2, $0x0  }
0xdb: {  	s3 =	rddreg [dreg:$0x2];
	[bflag:$0x3] =	sbarrier.arrive $0xFFFF;
	s2 =	simm.s32 @!p0 $0x1C03  }
0xdc: {  	[timem:s3], [sflag:s2] =	dma.local @!p0 [hbm:s0], s1  }
0xdd: {  	s0 =	simm.s32 @!p0 $0x3  }
0xde: {  	_ =	swait.ge @!p0 [sflag:s0], s1  }
0xdf: {  	s1 =	ssub.s32 @!p0 $0x0, s1;
	[sflag:s0] =	ssyncset.done @!p0 $0x0  }
0xe0: {  	[sflag:s0] =	ssyncadd.s32 @!p0 s1  }
0xe1: {  	[bflag:$0x3] =	sbarrier.arrive $0xFFFF  }
0xe2: {  	_ =	shalt  }

</sc_bundles>
